<compile_context>
chip_gen: v7x
topology: tpu7x:2x2x1
jax: 0.10.2.dev20260603
libtpu: 0.0.44.dev20260713+nightly
codegen_flags: <defaults>
</compile_context>

<pallas_src>
import functools

import jax
import jax.numpy as jnp
from jax import lax
from jax.experimental import pallas as pl
from jax.experimental.pallas import tpu as pltpu
from jax.experimental.pallas import tpu_sc as plsc



def _argmin_body(x_ref, cb_ref, idx_ref):
    x = x_ref[...]
    cb = cb_ref[...]
    s = lax.dot_general(
        x, cb, (((1,), (1,)), ((), ())),
        preferred_element_type=jnp.float32,
    )
    x_sq = jnp.sum(x * x, axis=1, keepdims=True)
    c_sq = jnp.sum(cb * cb, axis=1)[None, :]
    d2 = x_sq - 2.0 * s + c_sq
    dist = jnp.sqrt(jnp.maximum(d2, 0.0))
    k = dist.shape[1]
    m = jnp.min(dist, axis=1, keepdims=True)
    iota = lax.broadcasted_iota(jnp.int32, dist.shape, 1)
    idx = jnp.min(jnp.where(dist == m, iota, k), axis=1)
    idx_ref[0, 0, :] = idx


def _tc_argmin(flat_x, codebook, block_n, block_off, nb):
    d = flat_x.shape[1]
    k = codebook.shape[0]
    out = pl.pallas_call(
        _argmin_body,
        grid=(nb,),
        in_specs=[
            pl.BlockSpec((block_n, d), lambda i: (i + block_off, 0)),
            pl.BlockSpec((k, d), lambda i: (0, 0)),
        ],
        out_specs=pl.BlockSpec((1, 1, block_n), lambda i: (i, 0, 0)),
        out_shape=jax.ShapeDtypeStruct((nb, 1, block_n), jnp.int32),
    )(flat_x, codebook)
    return out.reshape(nb * block_n)



def _sc_info():
    try:
        info = plsc.get_sparse_core_info()
        return info.num_cores, info.num_subcores
    except Exception:
        return 2, 16


def _make_sc_gather(n_part, d, part_off, chunk):
    nc, ns = _sc_info()
    nw = nc * ns
    b_per_w = n_part // nw
    assert b_per_w % chunk == 0 and chunk % 8 == 0 and chunk <= 128
    n_chunks = b_per_w // chunk
    mesh = plsc.VectorSubcoreMesh(core_axis_name="c", subcore_axis_name="s")

    @functools.partial(
        pl.kernel,
        mesh=mesh,
        scratch_types=(
            [pltpu.VMEM((b_per_w,), jnp.int32)]
            + [pltpu.VMEM((chunk, d), jnp.float32)] * n_chunks
            + [pltpu.SemaphoreType.DMA] * (2 * n_chunks)
        ),
    )
    def gather_kernel(table_hbm, idx_hbm, out_hbm, *refs):
        idx_v = refs[0]
        rows = refs[1:1 + n_chunks]
        gsem = refs[1 + n_chunks:1 + 2 * n_chunks]
        ssem = refs[1 + 2 * n_chunks:1 + 3 * n_chunks]
        wid = lax.axis_index("s") * nc + lax.axis_index("c")
        base = wid * b_per_w
        pltpu.sync_copy(idx_hbm.at[pl.ds(base, b_per_w)], idx_v)
        gaths = [
            pltpu.async_copy(
                table_hbm.at[idx_v.at[pl.ds(c * chunk, chunk)]],
                rows[c], gsem[c])
            for c in range(n_chunks)
        ]
        stores = []
        for c in range(n_chunks):
            gaths[c].wait()
            stores.append(pltpu.async_copy(
                rows[c],
                out_hbm.at[pl.ds(part_off + base + c * chunk, chunk)],
                ssem[c]))
        for st in stores:
            st.wait()

    return gather_kernel



def _alloc_body(o_ref):
    o_ref[...] = jnp.zeros_like(o_ref)


def _alloc_uninit(n, d):
    return pl.pallas_call(
        _alloc_body,
        grid=(1,),
        out_specs=pl.BlockSpec((8, 128), lambda i: (0, 0)),
        out_shape=jax.ShapeDtypeStruct((n, d), jnp.float32),
    )()


def kernel(x, codebook):
    d = x.shape[-1]
    flat_x = x.reshape(-1, d)
    n = flat_x.shape[0]
    block_n = 4096
    part_sizes = (n // 2, n // 2)
    out_ref = jax.new_ref(_alloc_uninit(n, d))
    off = 0
    for np_ in part_sizes:
        idx = _tc_argmin(flat_x, codebook, block_n,
                         off // block_n, np_ // block_n)
        _make_sc_gather(np_, d, off, chunk=128)(codebook, idx, out_ref)
        off += np_
    return out_ref[...].reshape(x.shape)

# --- scband reference (transcript-rebuilt; emitter-appended) ---
"""Pipeline reference for scband-audio-quantizer-45320494907628 (READ-ONLY COPY).

The authoritative reference and input builder live on the scoring server;
editing this copy changes nothing except your own understanding.
"""

import jax, jax.numpy as jnp
import numpy as np


def setup_inputs(seed: int = 0) -> dict:
    key = jax.random.key(seed)
    kx, kc = jax.random.split(key)
    x = jax.random.normal(kx, (8, 2048, 256), dtype=jnp.float32)
    codebook = jax.random.normal(kc, (1024, 256), dtype=jnp.float32)
    return {"x": x, "codebook": codebook}


def reference(x, codebook):
    # flatten tokens
    flat_x = x.reshape(-1, x.shape[-1])  # [B*S, d]
    # torch.cdist(p=2): pairwise euclidean distances [B*S, K]
    x_sq = jnp.sum(flat_x * flat_x, axis=1, keepdims=True)       # [N, 1]
    c_sq = jnp.sum(codebook * codebook, axis=1)[None, :]          # [1, K]
    d2 = x_sq - 2.0 * (flat_x @ codebook.T) + c_sq                # [N, K]
    distances = jnp.sqrt(jnp.maximum(d2, 0.0))
    indices = jnp.argmin(distances, axis=1)                       # [N]
    quantized = jnp.take(codebook, indices, axis=0)               # gather [N, d]
    quantized = quantized.reshape(x.shape)
    return quantized

if __name__ == "__main__":
    import jax
    _d = setup_inputs()
    print(jax.jit(kernel)(*tuple(_d.values())))

</pallas_src>

<mosaic_0001>
#map = affine_map<(d0, d1) -> (0, 0)>
#map1 = affine_map<(d0, d1) -> (0)>
module attributes {stable_mosaic.version = 14 : i64} {
  func.func @new_body(%arg0: i32, %arg1: i32, %arg2: memref<1024x256xf32, #tpu.memory_space<hbm>>, %arg3: memref<8192xi32, #tpu.memory_space<hbm>>, %arg4: memref<16384x256xf32, #tpu.memory_space<hbm>>, %arg5: memref<16384x256xf32, #tpu.memory_space<hbm>>, %arg6: memref<256xi32, #tpu.memory_space<vmem>>, %arg7: memref<128x256xf32, #tpu.memory_space<vmem>>, %arg8: memref<128x256xf32, #tpu.memory_space<vmem>>, %arg9: memref<!tpu.dma_semaphore, #tpu.memory_space<semaphore_mem>>, %arg10: memref<!tpu.dma_semaphore, #tpu.memory_space<semaphore_mem>>, %arg11: memref<!tpu.dma_semaphore, #tpu.memory_space<semaphore_mem>>, %arg12: memref<!tpu.dma_semaphore, #tpu.memory_space<semaphore_mem>>) attributes {dimension_semantics = [#tpu.dimension_semantics<core_parallel>, #tpu.dimension_semantics<subcore_parallel>], iteration_bounds = array<i64: 2, 16>, scalar_prefetch = 0 : i64, scratch_operands = 7 : i64, tpu.core_type = #tpu.core_type<sc_vector_subcore>, window_params = [{transform_indices = #map}, {transform_indices = #map1}, {transform_indices = #map}, {transform_indices = #map}]} {
    %mul3A = arith.constant 2 : i32
    %mul3A_0 = arith.muli %arg1, %mul3A : i32
    %add3A = arith.addi %mul3A_0, %arg0 : i32
    %mul3A_1 = arith.constant 256 : i32
    %mul3A_2 = arith.muli %add3A, %mul3A_1 : i32
    "tpu.region"() ({
      %run_scoped3A = tpu.sem_alloc : memref<!tpu.dma_semaphore, #tpu.memory_space<semaphore_mem>>
      %dma_start3A_45 = tpu.memref_slice %arg3[%mul3A_2] : memref<8192xi32, #tpu.memory_space<hbm>> -> memref<256xi32, #tpu.memory_space<hbm>>
      %dma_start3A_46 = tpu.memref_slice %arg3[%mul3A_2] : memref<8192xi32, #tpu.memory_space<hbm>> -> memref<256xi32, #tpu.memory_space<hbm>>
      tpu.enqueue_dma source(%dma_start3A_46 : memref<256xi32, #tpu.memory_space<hbm>>) target(%arg6 : memref<256xi32, #tpu.memory_space<vmem>>) target_semaphore(%run_scoped3A : memref<!tpu.dma_semaphore, #tpu.memory_space<semaphore_mem>>)
      %dma_wait3A_47 = tpu.memref_slice %arg3[%mul3A_2] : memref<8192xi32, #tpu.memory_space<hbm>> -> memref<256xi32, #tpu.memory_space<hbm>>
      %dma_wait3A_48 = tpu.memref_slice %arg3[%mul3A_2] : memref<8192xi32, #tpu.memory_space<hbm>> -> memref<256xi32, #tpu.memory_space<hbm>>
      tpu.wait_dma2 semaphore(%run_scoped3A : memref<!tpu.dma_semaphore, #tpu.memory_space<semaphore_mem>>) src(%dma_wait3A_48 : memref<256xi32, #tpu.memory_space<hbm>>) dst(%arg6 : memref<256xi32, #tpu.memory_space<vmem>>)
      tpu.yield
    }) : () -> ()
    %dma_start3A = arith.constant 0 : i32
    %dma_start3A_3 = tpu.memref_slice %arg6[%dma_start3A] : memref<256xi32, #tpu.memory_space<vmem>> -> memref<128xi32, #tpu.memory_space<vmem>>
    %dma_start3A_4 = arith.constant 0 : i32
    %dma_start3A_5 = arith.constant 0 : i32
    %dma_start3A_6 = tpu.memref_slice %arg2[%dma_start3A_4, %dma_start3A_5] : memref<1024x256xf32, #tpu.memory_space<hbm>> -> memref<1024x256xf32, #tpu.memory_space<hbm>>
    tpu.enqueue_indirect_dma source(%dma_start3A_6 : memref<1024x256xf32, #tpu.memory_space<hbm>>) target(%arg7 : memref<128x256xf32, #tpu.memory_space<vmem>>) offsets(%dma_start3A_3 : memref<128xi32, #tpu.memory_space<vmem>>) semaphore(%arg9 : memref<!tpu.dma_semaphore, #tpu.memory_space<semaphore_mem>>)
    %dma_start3A_7 = arith.constant 128 : i32
    %dma_start3A_8 = tpu.memref_slice %arg6[%dma_start3A_7] : memref<256xi32, #tpu.memory_space<vmem>> -> memref<128xi32, #tpu.memory_space<vmem>>
    %dma_start3A_9 = arith.constant 0 : i32
    %dma_start3A_10 = arith.constant 0 : i32
    %dma_start3A_11 = tpu.memref_slice %arg2[%dma_start3A_9, %dma_start3A_10] : memref<1024x256xf32, #tpu.memory_space<hbm>> -> memref<1024x256xf32, #tpu.memory_space<hbm>>
    tpu.enqueue_indirect_dma source(%dma_start3A_11 : memref<1024x256xf32, #tpu.memory_space<hbm>>) target(%arg8 : memref<128x256xf32, #tpu.memory_space<vmem>>) offsets(%dma_start3A_8 : memref<128xi32, #tpu.memory_space<vmem>>) semaphore(%arg10 : memref<!tpu.dma_semaphore, #tpu.memory_space<semaphore_mem>>)
    %dma_wait3A = arith.constant 0 : i32
    %dma_wait3A_12 = tpu.memref_slice %arg6[%dma_wait3A] : memref<256xi32, #tpu.memory_space<vmem>> -> memref<128xi32, #tpu.memory_space<vmem>>
    %dma_wait3A_13 = arith.constant 0 : i32
    %dma_wait3A_14 = arith.constant 0 : i32
    %dma_wait3A_15 = tpu.memref_slice %arg2[%dma_wait3A_13, %dma_wait3A_14] : memref<1024x256xf32, #tpu.memory_space<hbm>> -> memref<1024x256xf32, #tpu.memory_space<hbm>>
    tpu.wait_indirect_dma semaphore(%arg9 : memref<!tpu.dma_semaphore, #tpu.memory_space<semaphore_mem>>) src(%dma_wait3A_15 : memref<1024x256xf32, #tpu.memory_space<hbm>>) dst(%arg7 : memref<128x256xf32, #tpu.memory_space<vmem>>)
    %add3A_16 = arith.constant 8192 : i32
    %add3A_17 = arith.addi %add3A_16, %mul3A_2 : i32
    %add3A_18 = arith.constant 0 : i32
    %add3A_19 = arith.addi %add3A_17, %add3A_18 : i32
    %dma_start3A_20 = arith.constant 0 : i32
    %dma_start3A_21 = tpu.memref_slice %arg4[%add3A_19, %dma_start3A_20] : memref<16384x256xf32, #tpu.memory_space<hbm>> -> memref<128x256xf32, #tpu.memory_space<hbm>>
    %dma_start3A_22 = arith.constant 0 : i32
    %dma_start3A_23 = tpu.memref_slice %arg4[%add3A_19, %dma_start3A_22] : memref<16384x256xf32, #tpu.memory_space<hbm>> -> memref<128x256xf32, #tpu.memory_space<hbm>>
    tpu.enqueue_dma source(%arg7 : memref<128x256xf32, #tpu.memory_space<vmem>>) target(%dma_start3A_23 : memref<128x256xf32, #tpu.memory_space<hbm>>) target_semaphore(%arg11 : memref<!tpu.dma_semaphore, #tpu.memory_space<semaphore_mem>>)
    %dma_wait3A_24 = arith.constant 128 : i32
    %dma_wait3A_25 = tpu.memref_slice %arg6[%dma_wait3A_24] : memref<256xi32, #tpu.memory_space<vmem>> -> memref<128xi32, #tpu.memory_space<vmem>>
    %dma_wait3A_26 = arith.constant 0 : i32
    %dma_wait3A_27 = arith.constant 0 : i32
    %dma_wait3A_28 = tpu.memref_slice %arg2[%dma_wait3A_26, %dma_wait3A_27] : memref<1024x256xf32, #tpu.memory_space<hbm>> -> memref<1024x256xf32, #tpu.memory_space<hbm>>
    tpu.wait_indirect_dma semaphore(%arg10 : memref<!tpu.dma_semaphore, #tpu.memory_space<semaphore_mem>>) src(%dma_wait3A_28 : memref<1024x256xf32, #tpu.memory_space<hbm>>) dst(%arg8 : memref<128x256xf32, #tpu.memory_space<vmem>>)
    %add3A_29 = arith.constant 8192 : i32
    %add3A_30 = arith.addi %add3A_29, %mul3A_2 : i32
    %add3A_31 = arith.constant 128 : i32
    %add3A_32 = arith.addi %add3A_30, %add3A_31 : i32
    %dma_start3A_33 = arith.constant 0 : i32
    %dma_start3A_34 = tpu.memref_slice %arg4[%add3A_32, %dma_start3A_33] : memref<16384x256xf32, #tpu.memory_space<hbm>> -> memref<128x256xf32, #tpu.memory_space<hbm>>
    %dma_start3A_35 = arith.constant 0 : i32
    %dma_start3A_36 = tpu.memref_slice %arg4[%add3A_32, %dma_start3A_35] : memref<16384x256xf32, #tpu.memory_space<hbm>> -> memref<128x256xf32, #tpu.memory_space<hbm>>
    tpu.enqueue_dma source(%arg8 : memref<128x256xf32, #tpu.memory_space<vmem>>) target(%dma_start3A_36 : memref<128x256xf32, #tpu.memory_space<hbm>>) target_semaphore(%arg12 : memref<!tpu.dma_semaphore, #tpu.memory_space<semaphore_mem>>)
    %dma_wait3A_37 = arith.constant 0 : i32
    %dma_wait3A_38 = tpu.memref_slice %arg4[%add3A_19, %dma_wait3A_37] : memref<16384x256xf32, #tpu.memory_space<hbm>> -> memref<128x256xf32, #tpu.memory_space<hbm>>
    %dma_wait3A_39 = arith.constant 0 : i32
    %dma_wait3A_40 = tpu.memref_slice %arg4[%add3A_19, %dma_wait3A_39] : memref<16384x256xf32, #tpu.memory_space<hbm>> -> memref<128x256xf32, #tpu.memory_space<hbm>>
    tpu.wait_dma2 semaphore(%arg11 : memref<!tpu.dma_semaphore, #tpu.memory_space<semaphore_mem>>) src(%arg7 : memref<128x256xf32, #tpu.memory_space<vmem>>) dst(%dma_wait3A_40 : memref<128x256xf32, #tpu.memory_space<hbm>>)
    %dma_wait3A_41 = arith.constant 0 : i32
    %dma_wait3A_42 = tpu.memref_slice %arg4[%add3A_32, %dma_wait3A_41] : memref<16384x256xf32, #tpu.memory_space<hbm>> -> memref<128x256xf32, #tpu.memory_space<hbm>>
    %dma_wait3A_43 = arith.constant 0 : i32
    %dma_wait3A_44 = tpu.memref_slice %arg4[%add3A_32, %dma_wait3A_43] : memref<16384x256xf32, #tpu.memory_space<hbm>> -> memref<128x256xf32, #tpu.memory_space<hbm>>
    tpu.wait_dma2 semaphore(%arg12 : memref<!tpu.dma_semaphore, #tpu.memory_space<semaphore_mem>>) src(%arg8 : memref<128x256xf32, #tpu.memory_space<vmem>>) dst(%dma_wait3A_44 : memref<128x256xf32, #tpu.memory_space<hbm>>)
    return
  }
}

#map = affine_map<(d0, d1) -> (0, 0)>
#map1 = affine_map<(d0, d1) -> (0)>
module attributes {stable_mosaic.version = 14 : i64} {
  func.func @new_body(%arg0: i32, %arg1: i32, %arg2: memref<1024x256xf32, #tpu.memory_space<hbm>>, %arg3: memref<8192xi32, #tpu.memory_space<hbm>>, %arg4: memref<16384x256xf32, #tpu.memory_space<hbm>>, %arg5: memref<16384x256xf32, #tpu.memory_space<hbm>>, %arg6: memref<256xi32, #tpu.memory_space<vmem>>, %arg7: memref<128x256xf32, #tpu.memory_space<vmem>>, %arg8: memref<128x256xf32, #tpu.memory_space<vmem>>, %arg9: memref<!tpu.dma_semaphore, #tpu.memory_space<semaphore_mem>>, %arg10: memref<!tpu.dma_semaphore, #tpu.memory_space<semaphore_mem>>, %arg11: memref<!tpu.dma_semaphore, #tpu.memory_space<semaphore_mem>>, %arg12: memref<!tpu.dma_semaphore, #tpu.memory_space<semaphore_mem>>) attributes {dimension_semantics = [#tpu.dimension_semantics<core_parallel>, #tpu.dimension_semantics<subcore_parallel>], iteration_bounds = array<i64: 2, 16>, scalar_prefetch = 0 : i64, scratch_operands = 7 : i64, tpu.core_type = #tpu.core_type<sc_vector_subcore>, window_params = [{transform_indices = #map}, {transform_indices = #map1}, {transform_indices = #map}, {transform_indices = #map}]} {
    %mul3A = arith.constant 2 : i32
    %mul3A_0 = arith.muli %arg1, %mul3A : i32
    %add3A = arith.addi %mul3A_0, %arg0 : i32
    %mul3A_1 = arith.constant 256 : i32
    %mul3A_2 = arith.muli %add3A, %mul3A_1 : i32
    "tpu.region"() ({
      %run_scoped3A = tpu.sem_alloc : memref<!tpu.dma_semaphore, #tpu.memory_space<semaphore_mem>>
      %dma_start3A_45 = tpu.memref_slice %arg3[%mul3A_2] : memref<8192xi32, #tpu.memory_space<hbm>> -> memref<256xi32, #tpu.memory_space<hbm>>
      %dma_start3A_46 = tpu.memref_slice %arg3[%mul3A_2] : memref<8192xi32, #tpu.memory_space<hbm>> -> memref<256xi32, #tpu.memory_space<hbm>>
      tpu.enqueue_dma source(%dma_start3A_46 : memref<256xi32, #tpu.memory_space<hbm>>) target(%arg6 : memref<256xi32, #tpu.memory_space<vmem>>) target_semaphore(%run_scoped3A : memref<!tpu.dma_semaphore, #tpu.memory_space<semaphore_mem>>)
      %dma_wait3A_47 = tpu.memref_slice %arg3[%mul3A_2] : memref<8192xi32, #tpu.memory_space<hbm>> -> memref<256xi32, #tpu.memory_space<hbm>>
      %dma_wait3A_48 = tpu.memref_slice %arg3[%mul3A_2] : memref<8192xi32, #tpu.memory_space<hbm>> -> memref<256xi32, #tpu.memory_space<hbm>>
      tpu.wait_dma2 semaphore(%run_scoped3A : memref<!tpu.dma_semaphore, #tpu.memory_space<semaphore_mem>>) src(%dma_wait3A_48 : memref<256xi32, #tpu.memory_space<hbm>>) dst(%arg6 : memref<256xi32, #tpu.memory_space<vmem>>)
      tpu.yield
    }) : () -> ()
    %dma_start3A = arith.constant 0 : i32
    %dma_start3A_3 = tpu.memref_slice %arg6[%dma_start3A] : memref<256xi32, #tpu.memory_space<vmem>> -> memref<128xi32, #tpu.memory_space<vmem>>
    %dma_start3A_4 = arith.constant 0 : i32
    %dma_start3A_5 = arith.constant 0 : i32
    %dma_start3A_6 = tpu.memref_slice %arg2[%dma_start3A_4, %dma_start3A_5] : memref<1024x256xf32, #tpu.memory_space<hbm>> -> memref<1024x256xf32, #tpu.memory_space<hbm>>
    tpu.enqueue_indirect_dma source(%dma_start3A_6 : memref<1024x256xf32, #tpu.memory_space<hbm>>) target(%arg7 : memref<128x256xf32, #tpu.memory_space<vmem>>) offsets(%dma_start3A_3 : memref<128xi32, #tpu.memory_space<vmem>>) semaphore(%arg9 : memref<!tpu.dma_semaphore, #tpu.memory_space<semaphore_mem>>)
    %dma_start3A_7 = arith.constant 128 : i32
    %dma_start3A_8 = tpu.memref_slice %arg6[%dma_start3A_7] : memref<256xi32, #tpu.memory_space<vmem>> -> memref<128xi32, #tpu.memory_space<vmem>>
    %dma_start3A_9 = arith.constant 0 : i32
    %dma_start3A_10 = arith.constant 0 : i32
    %dma_start3A_11 = tpu.memref_slice %arg2[%dma_start3A_9, %dma_start3A_10] : memref<1024x256xf32, #tpu.memory_space<hbm>> -> memref<1024x256xf32, #tpu.memory_space<hbm>>
    tpu.enqueue_indirect_dma source(%dma_start3A_11 : memref<1024x256xf32, #tpu.memory_space<hbm>>) target(%arg8 : memref<128x256xf32, #tpu.memory_space<vmem>>) offsets(%dma_start3A_8 : memref<128xi32, #tpu.memory_space<vmem>>) semaphore(%arg10 : memref<!tpu.dma_semaphore, #tpu.memory_space<semaphore_mem>>)
    %dma_wait3A = arith.constant 0 : i32
    %dma_wait3A_12 = tpu.memref_slice %arg6[%dma_wait3A] : memref<256xi32, #tpu.memory_space<vmem>> -> memref<128xi32, #tpu.memory_space<vmem>>
    %dma_wait3A_13 = arith.constant 0 : i32
    %dma_wait3A_14 = arith.constant 0 : i32
    %dma_wait3A_15 = tpu.memref_slice %arg2[%dma_wait3A_13, %dma_wait3A_14] : memref<1024x256xf32, #tpu.memory_space<hbm>> -> memref<1024x256xf32, #tpu.memory_space<hbm>>
    tpu.wait_indirect_dma semaphore(%arg9 : memref<!tpu.dma_semaphore, #tpu.memory_space<semaphore_mem>>) src(%dma_wait3A_15 : memref<1024x256xf32, #tpu.memory_space<hbm>>) dst(%arg7 : memref<128x256xf32, #tpu.memory_space<vmem>>)
    %add3A_16 = arith.constant 0 : i32
    %add3A_17 = arith.addi %add3A_16, %mul3A_2 : i32
    %add3A_18 = arith.constant 0 : i32
    %add3A_19 = arith.addi %add3A_17, %add3A_18 : i32
    %dma_start3A_20 = arith.constant 0 : i32
    %dma_start3A_21 = tpu.memref_slice %arg4[%add3A_19, %dma_start3A_20] : memref<16384x256xf32, #tpu.memory_space<hbm>> -> memref<128x256xf32, #tpu.memory_space<hbm>>
    %dma_start3A_22 = arith.constant 0 : i32
    %dma_start3A_23 = tpu.memref_slice %arg4[%add3A_19, %dma_start3A_22] : memref<16384x256xf32, #tpu.memory_space<hbm>> -> memref<128x256xf32, #tpu.memory_space<hbm>>
    tpu.enqueue_dma source(%arg7 : memref<128x256xf32, #tpu.memory_space<vmem>>) target(%dma_start3A_23 : memref<128x256xf32, #tpu.memory_space<hbm>>) target_semaphore(%arg11 : memref<!tpu.dma_semaphore, #tpu.memory_space<semaphore_mem>>)
    %dma_wait3A_24 = arith.constant 128 : i32
    %dma_wait3A_25 = tpu.memref_slice %arg6[%dma_wait3A_24] : memref<256xi32, #tpu.memory_space<vmem>> -> memref<128xi32, #tpu.memory_space<vmem>>
    %dma_wait3A_26 = arith.constant 0 : i32
    %dma_wait3A_27 = arith.constant 0 : i32
    %dma_wait3A_28 = tpu.memref_slice %arg2[%dma_wait3A_26, %dma_wait3A_27] : memref<1024x256xf32, #tpu.memory_space<hbm>> -> memref<1024x256xf32, #tpu.memory_space<hbm>>
    tpu.wait_indirect_dma semaphore(%arg10 : memref<!tpu.dma_semaphore, #tpu.memory_space<semaphore_mem>>) src(%dma_wait3A_28 : memref<1024x256xf32, #tpu.memory_space<hbm>>) dst(%arg8 : memref<128x256xf32, #tpu.memory_space<vmem>>)
    %add3A_29 = arith.constant 0 : i32
    %add3A_30 = arith.addi %add3A_29, %mul3A_2 : i32
    %add3A_31 = arith.constant 128 : i32
    %add3A_32 = arith.addi %add3A_30, %add3A_31 : i32
    %dma_start3A_33 = arith.constant 0 : i32
    %dma_start3A_34 = tpu.memref_slice %arg4[%add3A_32, %dma_start3A_33] : memref<16384x256xf32, #tpu.memory_space<hbm>> -> memref<128x256xf32, #tpu.memory_space<hbm>>
    %dma_start3A_35 = arith.constant 0 : i32
    %dma_start3A_36 = tpu.memref_slice %arg4[%add3A_32, %dma_start3A_35] : memref<16384x256xf32, #tpu.memory_space<hbm>> -> memref<128x256xf32, #tpu.memory_space<hbm>>
    tpu.enqueue_dma source(%arg8 : memref<128x256xf32, #tpu.memory_space<vmem>>) target(%dma_start3A_36 : memref<128x256xf32, #tpu.memory_space<hbm>>) target_semaphore(%arg12 : memref<!tpu.dma_semaphore, #tpu.memory_space<semaphore_mem>>)
    %dma_wait3A_37 = arith.constant 0 : i32
    %dma_wait3A_38 = tpu.memref_slice %arg4[%add3A_19, %dma_wait3A_37] : memref<16384x256xf32, #tpu.memory_space<hbm>> -> memref<128x256xf32, #tpu.memory_space<hbm>>
    %dma_wait3A_39 = arith.constant 0 : i32
    %dma_wait3A_40 = tpu.memref_slice %arg4[%add3A_19, %dma_wait3A_39] : memref<16384x256xf32, #tpu.memory_space<hbm>> -> memref<128x256xf32, #tpu.memory_space<hbm>>
    tpu.wait_dma2 semaphore(%arg11 : memref<!tpu.dma_semaphore, #tpu.memory_space<semaphore_mem>>) src(%arg7 : memref<128x256xf32, #tpu.memory_space<vmem>>) dst(%dma_wait3A_40 : memref<128x256xf32, #tpu.memory_space<hbm>>)
    %dma_wait3A_41 = arith.constant 0 : i32
    %dma_wait3A_42 = tpu.memref_slice %arg4[%add3A_32, %dma_wait3A_41] : memref<16384x256xf32, #tpu.memory_space<hbm>> -> memref<128x256xf32, #tpu.memory_space<hbm>>
    %dma_wait3A_43 = arith.constant 0 : i32
    %dma_wait3A_44 = tpu.memref_slice %arg4[%add3A_32, %dma_wait3A_43] : memref<16384x256xf32, #tpu.memory_space<hbm>> -> memref<128x256xf32, #tpu.memory_space<hbm>>
    tpu.wait_dma2 semaphore(%arg12 : memref<!tpu.dma_semaphore, #tpu.memory_space<semaphore_mem>>) src(%arg8 : memref<128x256xf32, #tpu.memory_space<vmem>>) dst(%dma_wait3A_44 : memref<128x256xf32, #tpu.memory_space<hbm>>)
    return
  }
}

module attributes {stable_mosaic.version = 14 : i64} {
  func.func @_argmin_body(%arg0: i32, %arg1: memref<4096x256xf32, #tpu.memory_space<vmem>>, %arg2: memref<1024x256xf32, #tpu.memory_space<vmem>>, %arg3: memref<1x1x4096xi32, #tpu.memory_space<vmem>>) attributes {dimension_semantics = [#tpu.dimension_semantics<arbitrary>], iteration_bounds = array<i64: 2>, scalar_prefetch = 0 : i64, scratch_operands = 0 : i64, tpu.core_type = #tpu.core_type<tc>, window_params = [{transform_indices = @transform_0, window_bounds = array<i64: 4096, 256>}, {pipeline_mode = #tpu.pipeline_mode<synchronous>, transform_indices = @transform_1, window_bounds = array<i64: 1024, 256>}, {transform_indices = @transform_2, window_bounds = array<i64: 1, 1, 4096>}]} {
    %get3A = arith.constant 0 : index
    %get3A_0 = arith.constant 0 : index
    %get3A_1 = vector.load %arg1[%get3A, %get3A_0] : memref<4096x256xf32, #tpu.memory_space<vmem>>, vector<4096x256xf32>
    %get3A_2 = arith.constant 0 : index
    %get3A_3 = arith.constant 0 : index
    %get3A_4 = vector.load %arg2[%get3A_2, %get3A_3] : memref<1024x256xf32, #tpu.memory_space<vmem>>, vector<1024x256xf32>
    %dot_general3A = arith.constant dense<0.000000e+00> : vector<4096x1024xf32>
    %dot_general3A_5 = tpu.matmul %get3A_1, %get3A_4, %dot_general3A {dimension_numbers = #tpu.dot_dimension_numbers<[1], [1], [0], [0], [0, 0, 1, 0], [], []>, transpose_lhs_hint = false} : vector<4096x256xf32>, vector<1024x256xf32>, vector<4096x1024xf32> -> vector<4096x1024xf32>
    %mul3A = arith.mulf %get3A_1, %get3A_1 : vector<4096x256xf32>
    %reduce_sum3A = arith.constant dense<0.000000e+00> : vector<4096xf32>
    %reduce_sum3A_6 = vector.multi_reduction <add>, %mul3A, %reduce_sum3A [1] : vector<4096x256xf32> to vector<4096xf32>
    %broadcast_in_dim3A = vector.shape_cast %reduce_sum3A_6 : vector<4096xf32> to vector<4096x1xf32>
    %mul3A_7 = arith.mulf %get3A_4, %get3A_4 : vector<1024x256xf32>
    %reduce_sum3A_8 = arith.constant dense<0.000000e+00> : vector<1024xf32>
    %reduce_sum3A_9 = vector.multi_reduction <add>, %mul3A_7, %reduce_sum3A_8 [1] : vector<1024x256xf32> to vector<1024xf32>
    %broadcast_in_dim3A_10 = vector.shape_cast %reduce_sum3A_9 : vector<1024xf32> to vector<1x1024xf32>
    %mul3A_11 = arith.constant 2.000000e+00 : f32
    %mul3A_12 = vector.broadcast %mul3A_11 : f32 to vector<4096x1024xf32>
    %mul3A_13 = arith.mulf %mul3A_12, %dot_general3A_5 : vector<4096x1024xf32>
    %sub3A = vector.broadcast %broadcast_in_dim3A : vector<4096x1xf32> to vector<4096x1024xf32>
    %sub3A_14 = arith.subf %sub3A, %mul3A_13 : vector<4096x1024xf32>
    %add3A = vector.broadcast %broadcast_in_dim3A_10 : vector<1x1024xf32> to vector<4096x1024xf32>
    %add3A_15 = arith.addf %sub3A_14, %add3A : vector<4096x1024xf32>
    %max3A = arith.constant 0.000000e+00 : f32
    %max3A_16 = vector.broadcast %max3A : f32 to vector<4096x1024xf32>
    %max3A_17 = arith.maximumf %add3A_15, %max3A_16 : vector<4096x1024xf32>
    %sqrt3A = math.sqrt %max3A_17 : vector<4096x1024xf32>
    %reduce_min3A = arith.constant dense<0x7F800000> : vector<4096xf32>
    %reduce_min3A_18 = vector.multi_reduction <minimumf>, %sqrt3A, %reduce_min3A [1] : vector<4096x1024xf32> to vector<4096xf32>
    %broadcast_in_dim3A_19 = vector.shape_cast %reduce_min3A_18 : vector<4096xf32> to vector<4096x1xf32>
    %iota3A = tpu.iota {dimensions = array<i32: 1>} : vector<4096x1024xi32>
    %eq3A = vector.broadcast %broadcast_in_dim3A_19 : vector<4096x1xf32> to vector<4096x1024xf32>
    %eq3A_20 = arith.cmpf oeq, %sqrt3A, %eq3A : vector<4096x1024xf32>
    %jit3A = arith.constant 1024 : i32
    %broadcast_in_dim3A_21 = vector.broadcast %jit3A : i32 to vector<4096x1024xi32>
    %select_n3A = arith.select %eq3A_20, %iota3A, %broadcast_in_dim3A_21 : vector<4096x1024xi1>, vector<4096x1024xi32>
    %reduce_min3A_22 = arith.constant dense<2147483647> : vector<4096xi32>
    %reduce_min3A_23 = vector.multi_reduction <minsi>, %select_n3A, %reduce_min3A_22 [1] : vector<4096x1024xi32> to vector<4096xi32>
    %swap3A = arith.constant 0 : index
    %swap3A_24 = arith.constant 0 : index
    %swap3A_25 = arith.constant 0 : index
    %swap3A_26 = vector.load %arg3[%swap3A, %swap3A_24, %swap3A_25] : memref<1x1x4096xi32, #tpu.memory_space<vmem>>, vector<1x1x4096xi32>
    %swap3A_27 = vector.shape_cast %swap3A_26 : vector<1x1x4096xi32> to vector<4096xi32>
    %swap3A_28 = vector.shape_cast %reduce_min3A_23 : vector<4096xi32> to vector<1x1x4096xi32>
    tpu.vector_store %arg3[%swap3A, %swap3A_24, %swap3A_25], %swap3A_28 {strides = array<i32>} : memref<1x1x4096xi32, #tpu.memory_space<vmem>>, vector<1x1x4096xi32>,
    return
  }
  func.func @transform_0(%arg0: i32) -> (i32, i32) {
    %add3A = arith.constant 0 : i32
    %add3A_0 = arith.addi %arg0, %add3A : i32
    %c0_i32 = arith.constant 0 : i32
    %c0_i32_1 = arith.constant 0 : i32
    return %add3A_0, %c0_i32 : i32, i32
  }
  func.func @transform_1(%arg0: i32) -> (i32, i32) {
    %c0_i32 = arith.constant 0 : i32
    %c0_i32_0 = arith.constant 0 : i32
    %c0_i32_1 = arith.constant 0 : i32
    return %c0_i32, %c0_i32_0 : i32, i32
  }
  func.func @transform_2(%arg0: i32) -> (i32, i32, i32) {
    %c0_i32 = arith.constant 0 : i32
    %c0_i32_0 = arith.constant 0 : i32
    %c0_i32_1 = arith.constant 0 : i32
    return %arg0, %c0_i32, %c0_i32_0 : i32, i32, i32
  }
}

module attributes {stable_mosaic.version = 14 : i64} {
  func.func @_alloc_body(%arg0: i32, %arg1: memref<8x128xf32, #tpu.memory_space<vmem>>) attributes {dimension_semantics = [#tpu.dimension_semantics<arbitrary>], iteration_bounds = array<i64: 1>, scalar_prefetch = 0 : i64, scratch_operands = 0 : i64, tpu.core_type = #tpu.core_type<tc>, window_params = [{transform_indices = @transform_0, window_bounds = array<i64: 8, 128>}]} {
    %broadcast_in_dim3A = arith.constant 0.000000e+00 : f32
    %broadcast_in_dim3A_0 = vector.broadcast %broadcast_in_dim3A : f32 to vector<8x128xf32>
    %swap3A = arith.constant 0 : index
    %swap3A_1 = arith.constant 0 : index
    %swap3A_2 = vector.load %arg1[%swap3A, %swap3A_1] : memref<8x128xf32, #tpu.memory_space<vmem>>, vector<8x128xf32>
    tpu.vector_store %arg1[%swap3A, %swap3A_1], %broadcast_in_dim3A_0 {strides = array<i32>} : memref<8x128xf32, #tpu.memory_space<vmem>>, vector<8x128xf32>,
    return
  }
  func.func @transform_0(%arg0: i32) -> (i32, i32) {
    %c0_i32 = arith.constant 0 : i32
    %c0_i32_0 = arith.constant 0 : i32
    %c0_i32_1 = arith.constant 0 : i32
    return %c0_i32, %c0_i32_0 : i32, i32
  }
}

module attributes {stable_mosaic.version = 14 : i64} {
  func.func @_argmin_body(%arg0: i32, %arg1: memref<4096x256xf32, #tpu.memory_space<vmem>>, %arg2: memref<1024x256xf32, #tpu.memory_space<vmem>>, %arg3: memref<1x1x4096xi32, #tpu.memory_space<vmem>>) attributes {dimension_semantics = [#tpu.dimension_semantics<arbitrary>], iteration_bounds = array<i64: 2>, scalar_prefetch = 0 : i64, scratch_operands = 0 : i64, tpu.core_type = #tpu.core_type<tc>, window_params = [{transform_indices = @transform_0, window_bounds = array<i64: 4096, 256>}, {pipeline_mode = #tpu.pipeline_mode<synchronous>, transform_indices = @transform_1, window_bounds = array<i64: 1024, 256>}, {transform_indices = @transform_2, window_bounds = array<i64: 1, 1, 4096>}]} {
    %get3A = arith.constant 0 : index
    %get3A_0 = arith.constant 0 : index
    %get3A_1 = vector.load %arg1[%get3A, %get3A_0] : memref<4096x256xf32, #tpu.memory_space<vmem>>, vector<4096x256xf32>
    %get3A_2 = arith.constant 0 : index
    %get3A_3 = arith.constant 0 : index
    %get3A_4 = vector.load %arg2[%get3A_2, %get3A_3] : memref<1024x256xf32, #tpu.memory_space<vmem>>, vector<1024x256xf32>
    %dot_general3A = arith.constant dense<0.000000e+00> : vector<4096x1024xf32>
    %dot_general3A_5 = tpu.matmul %get3A_1, %get3A_4, %dot_general3A {dimension_numbers = #tpu.dot_dimension_numbers<[1], [1], [0], [0], [0, 0, 1, 0], [], []>, transpose_lhs_hint = false} : vector<4096x256xf32>, vector<1024x256xf32>, vector<4096x1024xf32> -> vector<4096x1024xf32>
    %mul3A = arith.mulf %get3A_1, %get3A_1 : vector<4096x256xf32>
    %reduce_sum3A = arith.constant dense<0.000000e+00> : vector<4096xf32>
    %reduce_sum3A_6 = vector.multi_reduction <add>, %mul3A, %reduce_sum3A [1] : vector<4096x256xf32> to vector<4096xf32>
    %broadcast_in_dim3A = vector.shape_cast %reduce_sum3A_6 : vector<4096xf32> to vector<4096x1xf32>
    %mul3A_7 = arith.mulf %get3A_4, %get3A_4 : vector<1024x256xf32>
    %reduce_sum3A_8 = arith.constant dense<0.000000e+00> : vector<1024xf32>
    %reduce_sum3A_9 = vector.multi_reduction <add>, %mul3A_7, %reduce_sum3A_8 [1] : vector<1024x256xf32> to vector<1024xf32>
    %broadcast_in_dim3A_10 = vector.shape_cast %reduce_sum3A_9 : vector<1024xf32> to vector<1x1024xf32>
    %mul3A_11 = arith.constant 2.000000e+00 : f32
    %mul3A_12 = vector.broadcast %mul3A_11 : f32 to vector<4096x1024xf32>
    %mul3A_13 = arith.mulf %mul3A_12, %dot_general3A_5 : vector<4096x1024xf32>
    %sub3A = vector.broadcast %broadcast_in_dim3A : vector<4096x1xf32> to vector<4096x1024xf32>
    %sub3A_14 = arith.subf %sub3A, %mul3A_13 : vector<4096x1024xf32>
    %add3A = vector.broadcast %broadcast_in_dim3A_10 : vector<1x1024xf32> to vector<4096x1024xf32>
    %add3A_15 = arith.addf %sub3A_14, %add3A : vector<4096x1024xf32>
    %max3A = arith.constant 0.000000e+00 : f32
    %max3A_16 = vector.broadcast %max3A : f32 to vector<4096x1024xf32>
    %max3A_17 = arith.maximumf %add3A_15, %max3A_16 : vector<4096x1024xf32>
    %sqrt3A = math.sqrt %max3A_17 : vector<4096x1024xf32>
    %reduce_min3A = arith.constant dense<0x7F800000> : vector<4096xf32>
    %reduce_min3A_18 = vector.multi_reduction <minimumf>, %sqrt3A, %reduce_min3A [1] : vector<4096x1024xf32> to vector<4096xf32>
    %broadcast_in_dim3A_19 = vector.shape_cast %reduce_min3A_18 : vector<4096xf32> to vector<4096x1xf32>
    %iota3A = tpu.iota {dimensions = array<i32: 1>} : vector<4096x1024xi32>
    %eq3A = vector.broadcast %broadcast_in_dim3A_19 : vector<4096x1xf32> to vector<4096x1024xf32>
    %eq3A_20 = arith.cmpf oeq, %sqrt3A, %eq3A : vector<4096x1024xf32>
    %jit3A = arith.constant 1024 : i32
    %broadcast_in_dim3A_21 = vector.broadcast %jit3A : i32 to vector<4096x1024xi32>
    %select_n3A = arith.select %eq3A_20, %iota3A, %broadcast_in_dim3A_21 : vector<4096x1024xi1>, vector<4096x1024xi32>
    %reduce_min3A_22 = arith.constant dense<2147483647> : vector<4096xi32>
    %reduce_min3A_23 = vector.multi_reduction <minsi>, %select_n3A, %reduce_min3A_22 [1] : vector<4096x1024xi32> to vector<4096xi32>
    %swap3A = arith.constant 0 : index
    %swap3A_24 = arith.constant 0 : index
    %swap3A_25 = arith.constant 0 : index
    %swap3A_26 = vector.load %arg3[%swap3A, %swap3A_24, %swap3A_25] : memref<1x1x4096xi32, #tpu.memory_space<vmem>>, vector<1x1x4096xi32>
    %swap3A_27 = vector.shape_cast %swap3A_26 : vector<1x1x4096xi32> to vector<4096xi32>
    %swap3A_28 = vector.shape_cast %reduce_min3A_23 : vector<4096xi32> to vector<1x1x4096xi32>
    tpu.vector_store %arg3[%swap3A, %swap3A_24, %swap3A_25], %swap3A_28 {strides = array<i32>} : memref<1x1x4096xi32, #tpu.memory_space<vmem>>, vector<1x1x4096xi32>,
    return
  }
  func.func @transform_0(%arg0: i32) -> (i32, i32) {
    %add3A = arith.constant 2 : i32
    %add3A_0 = arith.addi %arg0, %add3A : i32
    %c0_i32 = arith.constant 0 : i32
    %c0_i32_1 = arith.constant 0 : i32
    return %add3A_0, %c0_i32 : i32, i32
  }
  func.func @transform_1(%arg0: i32) -> (i32, i32) {
    %c0_i32 = arith.constant 0 : i32
    %c0_i32_0 = arith.constant 0 : i32
    %c0_i32_1 = arith.constant 0 : i32
    return %c0_i32, %c0_i32_0 : i32, i32
  }
  func.func @transform_2(%arg0: i32) -> (i32, i32, i32) {
    %c0_i32 = arith.constant 0 : i32
    %c0_i32_0 = arith.constant 0 : i32
    %c0_i32_1 = arith.constant 0 : i32
    return %arg0, %c0_i32, %c0_i32_0 : i32, i32, i32
  }
}

</mosaic_0001>

<sc_bundles>
// kernel: kernel.10.cloned.1.call-start
scs
__scs_entry_jumppad:
0x0: {  	(pc) =	sbr.rel $0x88, $3  }
0x1: {  	(tag) =	ssettag $0x0;
	lr =	simm.s32 $0x1  }
0x2: {  	[smem:$0x3F9F] =	sst lr;
	_ =	strace $0xD0000000  }
0x3: {  	_ = 	snop  }
0x4: {  	_ = 	snop  }
0x5: {  	_ = 	snop  }
0x6: {  	_ = 	snop  }
0x7: {  	_ = 	snop  }
__scs_overlays_trampoline_lowered:
0x8: {  	[smem:$0x3FAE] =	sst s0  }
0x9: {  	[smem:$0x3FAF] =	sst s1  }
0xa: {  	[smem:$0x3FB0] =	sst s2  }
0xb: {  	[smem:$0x3FB1] =	sst s3  }
0xc: {  	[smem:$0x3FB2] =	sst s4  }
0xd: {  	[smem:$0x3FB3] =	sst s5  }
0xe: {  	[smem:$0x3FB4] =	sst s6  }
0xf: {  	[smem:$0x3FB5] =	sst s7  }
0x10: {  	[smem:$0x3FB6] =	sst s8  }
0x11: {  	[smem:$0x3FB7] =	sst s9;
	s0 =	simm.s32 @!p0 $0x0  }
0x12: {  	s1 =	sld [smem:$0x3F9D];
	s0 =	simm.s32 @p0 $0x1  }
0x13: {  	[smem:$0x3FB8] =	sst s0;
	s0 =	simm.s32 @!p1 $0x0  }
0x14: {  	s2 =	sld [smem:$0x3F9C];
	s0 =	simm.s32 @p1 $0x1  }
0x15: {  	[smem:$0x3FB9] =	sst s0;
	s0 =	simm.s32 @!p2 $0x0  }
0x16: {  	s3 =	sld [smem:$0x3FDB];
	s0 =	simm.s32 @p2 $0x1  }
0x17: {  	s4 =	simm.s32 $0x1BF5;
	[smem:$0x3FBB] =	sst s0  }
0x18: {  	s0 =	sld [smem:$0x3F9E];
	_ =	swait.ge [sflag:s4], $0x0  }
0x19: {  	s7 =	sld [smem:$0x3F9F]  }
0x1a: {  	s8 =	sadd.s32 $0xFFFFE003, lr  }
0x1b: {  	s9 =	sadd.s32 $0xFFFFFEF7, lr;
	s5 =	simm.s32 $0xFFFFFFFF;
	p2 =	slt.u32 s8, $0xFFFFF086  }
0x1c: {  	p1 =	slt.u32 s9, $0xF7A;
	s5 =	simm.s32 @!p2 $0x0  }
0x1d: {  	s5 =	simm.s32 @p1 $0x1;
	p0 =	seq.s32 s7, s2  }
0x1e: {  	s7 =	smul.u32 @!p0 $0xF7A, s2;
	p2 =	seq.s32 @!p0 s5, $0x0  }
0x1f: {  	s9 =	smul.u32 $0xF7A, s1;
	s8 =	simm.s32 @!p0 $0x1BF5;
	p2 =	por !p2, p0  }
0x20: {  	[sflag:s8] =	ssyncset.s32 @!p0 $0xFFFFF086;
	s6 =	sadd.s32 @!p0 s3, s7;
	s7 =	simm.s32 @!p0 $0x108  }
0x21: {  	s3 =	sadd.s32 s3, s9;
	s6 =	sadd.s32 @!p0 $0x88, s6;
	s7 =	simm.s32 @p2 $0x1082  }
0x22: {  	[simem:s7], [sflag:s8] =	dma.local @!p0 [hbm:s6], $0xF7A  }
0x23: {  	s9 =	sor.u32 $0xD0000000, s2;
	s6 =	simm.s32 $0x108;
	_ =	swait.ge @!p0 [sflag:s8], $0x0  }
0x24: {  	s3 =	sadd.s32 $0x88, s3;
	s6 =	simm.s32 @!p1 $0x1082;
	[sflag:s4] =	ssyncset.s32 $0xFFFFF086  }
0x25: {  	[simem:s6], [sflag:s4] =	dma.local [hbm:s3], $0xF7A  }
0x26: {  	[smem:$0x3F9F] =	sst s1;
	(tag) =	ssettag s2;
	_ =	strace s9  }
0x27: {  	s1 =	sld [smem:$0x3FAF]  }
0x28: {  	s2 =	sld [smem:$0x3FB0]  }
0x29: {  	s4 =	sld [smem:$0x3FB2]  }
0x2a: {  	p0 =	seq.s32 s5, $0x0;
	s5 =	sld [smem:$0x3FB3]  }
0x2b: {  	s6 =	sld [smem:$0x3FB4]  }
0x2c: {  	s7 =	sld [smem:$0x3FB5]  }
0x2d: {  	s3 =	simm.s32 $0x108;
	s8 =	sld [smem:$0x3FB6]  }
0x2e: {  	s3 =	simm.s32 @!p0 $0x1082;
	s9 =	sld [smem:$0x3FB7]  }
0x2f: {  	lr =	sadd.s32 s0, s3;
	s0 =	sld [smem:$0x3FAE]  }
0x30: {  	s3 =	sld [smem:$0x3FB1]  }
0x31: {  	[smem:$0x3FBA] =	sst s10  }
0x32: {  	s10 =	sld [smem:$0x3FB8];
	_ =	sdelay $0x3  }
0x33: {  	p0 =	seq.s32 s10, $0x1;
	s10 =	sld [smem:$0x3FBA];
	_ =	sdelay $0x3  }
0x34: {  	[smem:$0x3FBA] =	sst s10  }
0x35: {  	s10 =	sld [smem:$0x3FB9];
	_ =	sdelay $0x3  }
0x36: {  	p1 =	seq.s32 s10, $0x1;
	s10 =	sld [smem:$0x3FBA];
	_ =	sdelay $0x3  }
0x37: {  	[smem:$0x3FBA] =	sst s10  }
0x38: {  	s10 =	sld [smem:$0x3FBB]  }
0x39: {  	_ = 	snop;
	(pc) =	sbr.ind lr, $3  }
0x3a: {  	_ = 	snop  }
0x3b: {  	_ = 	snop  }
0x3c: {  	p2 =	seq.s32 s10, $0x1;
	s10 =	sld [smem:$0x3FBA]  }
0x3d: {  	_ =	shalt  }
0x3e: {  	_ =	shalt  }
0x3f: {  	_ =	shalt  }
0x40: {  	_ =	shalt  }
0x41: {  	_ =	shalt  }
0x42: {  	_ =	shalt  }
0x43: {  	_ =	shalt  }
0x44: {  	_ =	shalt  }
0x45: {  	_ =	shalt  }
0x46: {  	_ =	shalt  }
0x47: {  	_ =	shalt  }
0x48: {  	_ =	shalt  }
0x49: {  	_ =	shalt  }
0x4a: {  	_ =	shalt  }
0x4b: {  	_ =	shalt  }
0x4c: {  	_ =	shalt  }
0x4d: {  	_ =	shalt  }
0x4e: {  	_ =	shalt  }
0x4f: {  	_ =	shalt  }
0x50: {  	_ =	shalt  }
0x51: {  	_ =	shalt  }
0x52: {  	_ =	shalt  }
0x53: {  	_ =	shalt  }
0x54: {  	_ =	shalt  }
0x55: {  	_ =	shalt  }
0x56: {  	_ =	shalt  }
0x57: {  	_ =	shalt  }
0x58: {  	_ =	shalt  }
0x59: {  	_ =	shalt  }
0x5a: {  	_ =	shalt  }
0x5b: {  	_ =	shalt  }
0x5c: {  	_ =	shalt  }
0x5d: {  	_ =	shalt  }
0x5e: {  	_ =	shalt  }
0x5f: {  	_ =	shalt  }
0x60: {  	_ =	shalt  }
0x61: {  	_ =	shalt  }
0x62: {  	_ =	shalt  }
0x63: {  	_ =	shalt  }
0x64: {  	_ =	shalt  }
0x65: {  	_ =	shalt  }
0x66: {  	_ =	shalt  }
0x67: {  	_ =	shalt  }
0x68: {  	_ =	shalt  }
0x69: {  	_ =	shalt  }
0x6a: {  	_ =	shalt  }
0x6b: {  	_ =	shalt  }
0x6c: {  	_ =	shalt  }
0x6d: {  	_ =	shalt  }
0x6e: {  	_ =	shalt  }
0x6f: {  	_ =	shalt  }
0x70: {  	_ =	shalt  }
0x71: {  	_ =	shalt  }
0x72: {  	_ =	shalt  }
0x73: {  	_ =	shalt  }
0x74: {  	_ =	shalt  }
0x75: {  	_ =	shalt  }
0x76: {  	_ =	shalt  }
0x77: {  	_ =	shalt  }
0x78: {  	_ =	shalt  }
0x79: {  	_ =	shalt  }
0x7a: {  	_ =	shalt  }
0x7b: {  	_ =	shalt  }
0x7c: {  	_ =	shalt  }
0x7d: {  	_ =	shalt  }
0x7e: {  	_ =	shalt  }
0x7f: {  	_ =	shalt  }
0x80: {  	_ =	shalt  }
0x81: {  	_ =	shalt  }
0x82: {  	_ =	shalt  }
0x83: {  	_ =	shalt  }
0x84: {  	_ =	shalt  }
0x85: {  	_ =	shalt  }
0x86: {  	_ =	shalt  }
0x87: {  	_ =	shalt  }
.Lfunc_end0:
.L_simem_size_0:
called_computation.1_lowered:
.L_overlay_start_0:
0x88: {  	s2 =	sld [smem:$0x3FD9]  }
0x89: {  	s3 =	sld [smem:$0x3FFE];
	_ =	sdelay $0x1  }
0x8a: {  	s1 =	srdreg.scid  }
0x8b: {  	s0 =	sand.u32 $0x1, s1  }
0x8c: {  	s17 =	sshll.u32 s0, $0xA;
	s2 =	sadd.s32 s3, s2  }
0x8d: {  	s2 =	sadd.s32 s2, s17  }
0x8e: {  	[smem:$0x3FC6] =	sst s2  }
0x8f: {  	_ = 	snop  }
0x90: {  	s2 =	sld [smem:$0x3FC8]  }
0x91: {  	s18 =	sld [smem:$0x3FD0];
	(tm) =	ssettm $0x1  }
0x92: {  	s4 =	sld [smem:$0x3FFB];
	_ =	sdelay $0x3  }
0x93: {  	_ =	strace s4  }
0x94: {  	s4 =	sld [smem:$0x3FFC];
	_ =	sdelay $0x3  }
0x95: {  	_ =	strace s4  }
0x96: {  	s4 =	sld [smem:$0x3FFD];
	_ =	sdelay $0x3  }
0x97: {  	_ =	strace s4  }
0x98: {  	_ =	strace $0x8FFFFFFF  }
0x99: {  	s19 =	sld [smem:$0x3FDB];
	_ =	sdelay $0x1  }
0x9a: {  	s5 =	simm.s32 $_scs_section_size  }
0x9b: {  	s6 =	simm.s32 $_size__tile_overlayer_lowered;
	s7 =	simm.s32 $_tile_overlayer_lowered  }
0x9c: {  	s22 =	simm.s32 $0x1BFF;
	s21 =	sshll.u32 s7, $0x1;
	s4 =	sadd.s32 s5, s19  }
0x9d: {  	s8 =	simm.s32 $0x0;
	s20 =	sshll.u32 s6, $0x1;
	s6 =	sadd.s32 s21, s4  }
0x9e: {  	[timem:s8], [sflag:s22] =	dma.local [hbm:s6], s20  }
0x9f: {  	_ =	swait.ge [sflag:s22], s20  }
0xa0: {  	s5 =	ssub.s32 $0x0, s20;
	[sflag:s22] =	ssyncset.done $0x0  }
0xa1: {  	[sflag:s22] =	ssyncadd.s32 s5;
	_ =	sdelay $0x1  }
0xa2: {  	s23 =	simm.s32 $0x1B8B  }
0xa3: {  	_ =	swait.ge [sflag:s23], $0x1  }
0xa4: {  	[sflag:s23] =	ssyncset.done $0x0  }
0xa5: {  	s25 =	simm.s32 $0x1B8E;
	s24 =	sld [smem:$0x3FFE];
	[sflag:s23] =	ssyncadd.s32 $0xFFFFFFFF  }
0xa6: {  	s26 =	simm.s32 $execute0_lowered;
	[smem:$0x3FD2] =	sst s25  }
0xa7: {  	s6 =	sshll.u32 s26, $0x1;
	_ =	strace $0x80000049;
	[dreg:$0x1] =	wrdreg $0xFFFFFFFF  }
0xa8: {  	s28 =	simm.s32 $_size_execute0_lowered;
	s4 =	sadd.s32 s4, s6;
	[dreg:$0x0] =	wrdreg $0x0  }
0xa9: {  	s6 =	sshll.u32 s28, $0x1;
	[dreg:$0x2] =	wrdreg s4  }
0xaa: {  	[dreg:$0x3] =	wrdreg s6  }
0xab: {  	[dreg:$0x4] =	wrdreg $0xC0  }
0xac: {  	_ =	task [dreg:s8], $0x5FFFF  }
0xad: {  	[dreg:$0x1] =	wrdreg $0xFFFFFFFF  }
0xae: {  	[dreg:$0x0] =	wrdreg $0x60  }
0xaf: {  	[dreg:$0x2] =	wrdreg s2  }
0xb0: {  	[dreg:$0x3] =	wrdreg s24  }
0xb1: {  	[dreg:$0x4] =	wrdreg s18  }
0xb2: {  	[dreg:$0x5] =	wrdreg $0x9  }
0xb3: {  	_ =	task.clear_ibuf [dreg:s8], $0x6FFFF;
	_ =	strace $0x90000049  }
0xb4: {  	s29 =	simm.s32 $0x9;
	_ =	strace $0x8000004B  }
0xb5: {  	_ =	swait.ge [sflag:s29], $0x1  }
0xb6: {  	[sflag:s29] =	ssyncadd.s32 $0xFFFFFFFF  }
0xb7: {  	_ =	strace $0x9000004B  }
0xb8: {  	_ =	sfence  }
0xb9: {  	s30 =	sld [smem:$0x0];
	_ =	sdelay $0x2  }
0xba: {  	s31 =	sshll.u32 s1, $0xD;
	s1 =	sshrl.u32 s1, $0x2  }
0xbb: {  	s3 =	sand.u32 $0x4000, s31;
	s1 =	sadd.s32 s1, s30  }
0xbc: {  	s0 =	sor.u32 s3, s0;
	s1 =	sshll.u32 s1, $0x11  }
0xbd: {  	s0 =	sor.u32 s1, s0  }
0xbe: {  	s0 =	sadd.s32 $0x8F2B, s0  }
0xbf: {  	[sflag:s0] =	ssyncadd.remote.s32 $0x1  }
0xc0: {  	_ =	sfence.sel $0xFFFF  }
0xc1: {  	[dreg:$0x0] =	wrdreg $0xFFFFFFFF;
	(pc) =	sbr.abs _section_cstart, $3  }
0xc2: {  	[dreg:$0x1] =	wrdreg $0xFFFFFFFF  }
0xc3: {  	_ =	task.clear_ibuf [dreg:s8], $0x2FFFF;
	_ =	strace $0x9FFFFFFF  }
0xc4: {  	(tm) =	ssettm $0x7FFFFFFF  }
0xc5: {  	_ =	shalt  }
tec
execute0_lowered:
.L_overlay_start_1:
0x0: {  	(tag) =	ssettag $0x1  }
0x1: {  	s1 =	rddreg [dreg:$0x0]  }
0x2: {  	s2 =	srdreg.scid;
	s4 =	rddreg [dreg:$0x1]  }
0x3: {  	s0 =	stileid.u32;
	s6 =	rddreg [dreg:$0x2];
	s16 =	simm.s32 $0x900  }
0x4: {  	s17 =	simm.s32 $0x1100;
	s18 =	simm.s32 $0x1900;
	s19 =	simm.s32 $0x2100  }
0x5: {  	s20 =	simm.s32 $0x2900;
	s21 =	simm.s32 $0x3100;
	s2 =	sand.u32 $0x1, s2  }
0x6: {  	s23 =	simm.s32 $0x3900;
	s3 =	sshll.u32 s0, $0x9;
	s5 =	sshll.u32 s2, $0x8  }
0x7: {  	s24 =	simm.s32 $0x4100;
	s5 =	sor.u32 s5, s3;
	s3 =	simm.s32 $0x0  }
0x8: {  	s25 =	simm.s32 $0x4900;
	s26 =	simm.s32 $0x5100;
	[smem:$0x7FF] =	sst s3  }
0x9: {  	s8 =	simm.s32 $0x6100;
	_ =	strace $0x8000004A;
	[dreg:$0x7] =	wrdreg s16  }
0xa: {  	s9 =	simm.s32 $0x6900;
	s10 =	simm.s32 $0x7100;
	[dreg:$0x8] =	wrdreg s17  }
0xb: {  	s11 =	simm.s32 $0x7900;
	s12 =	simm.s32 $0x8100;
	[dreg:$0x9] =	wrdreg s18  }
0xc: {  	s13 =	simm.s32 $0x8900;
	s28 =	simm.s32 $0xF900;
	[dreg:$0xa] =	wrdreg s19  }
0xd: {  	s29 =	simm.s32 $0x1;
	s30 =	simm.s32 $0x2;
	[dreg:$0xb] =	wrdreg s20  }
0xe: {  	s31 =	simm.s32 $0x3;
	s2 =	ssub.s32 $0x2, s2;
	[dreg:$0xc] =	wrdreg s21  }
0xf: {  	s22 =	sshrl.u32 s2, $0x1;
	s7 =	sshrl.u32 s5, $0x3;
	[dreg:$0xd] =	wrdreg s23  }
0x10: {  	s5 =	sshll.u32 s5, $0x5;
	s2 =	ssub.s32 s2, s22;
	[dreg:$0xe] =	wrdreg s24  }
0x11: {  	s22 =	simm.s32 $0xD100;
	s4 =	sadd.s32 s7, s4;
	[dreg:$0xf] =	wrdreg s25  }
0x12: {  	s5 =	sadd.s32 s5, s6;
	s6 =	simm.s32 $0x100;
	[dreg:$0x10] =	wrdreg s26  }
0x13: {  	s16 =	simm.s32 $0xA100;
	s17 =	simm.s32 $0xA900;
	s18 =	simm.s32 $0xB100  }
0x14: {  	s19 =	simm.s32 $0xB900;
	s20 =	simm.s32 $0xC100;
	s21 =	simm.s32 $0xC900  }
0x15: {  	s23 =	simm.s32 $0xD900;
	s24 =	simm.s32 $0xE100;
	s4 =	sadd.s32 $0x1600, s4  }
0x16: {  	s25 =	simm.s32 $0xE900;
	s14 =	sadd.s32 $0x40000, s5;
	[dreg:$0x4] =	wrdreg s4  }
0x17: {  	v2 =	vlaneseq.u32;
	s26 =	simm.s32 $0xF100;
	s15 =	sadd.s32 $0x41000, s5;
	[dreg:$0x5] =	wrdreg s14  }
0x18: {  	vm0 =	vmmov $0xffff;
	v1 =	vshrl.u32 v2, $0x3;
	s5 =	simm.s32 $0x5;
	[dreg:$0x6] =	wrdreg s15;
	s4 =	smax.u32 s2, $0x1  }
0x19: {  	v0 =	vand.u32 $0x7, v2;
	v2 =	vor.u32 $0x8, v2;
	v1 =	vmul.u32 $0x8, v1;
	s14 =	simm.s32 $0x9100;
	s15 =	simm.s32 $0x9900;
	s2 =	simm.s32 $0x4  }
.LBB2_1:
0x1a: {  	s0 =	rddreg [dreg:$0x4]  }
0x1b: {  	[tilespmem:s3], [sflag:$0x5] =	stream.linear.gather [hbm4b:s0+s3], $0x100, $0x38;
	[tilespmem:$0x10100] =	vst v63  }
0x1c: {  	_ =	swait.ge [sflag:s5], $0x100  }
0x1d: {  	[sflag:s5] =	ssyncset.done $0x0  }
0x1e: {  	[sflag:s5] =	ssyncadd.s32 $0xFFFFFF00  }
0x1f: {  	v3 =	vld [tilespmem:$0x0];
	_ =	sdelay $0x4  }
0x20: {  	v4 =	vshll.u32 v3, $0x1  }
0x21: {  	v3 =	vand.u32 $0x7, v3;
	v4 =	vand.u32 $0xFFFFFFF0, v4  }
0x22: {  	v3 =	vor.u32 v3, v4  }
0x23: {  	v4 =	vperm.xlane v3, v0;
	_ =	sdelay $0x1  }
0x24: {  	v3 =	vperm.xlane v3, v2;
	v4 =	vadd.s32 v1, v4;
	_ =	sdelay $0x1  }
0x25: {  	v3 =	vadd.s32 v1, v3;
	_ =	sdelay $0x2  }
0x26: {  	[tilespmem:s6], [sflag:$0x1] =	stream.indirect_vreg.gather [hbm4b:s1+s3], $0x80, v4, vm0, $0xb8;
	[tilespmem:$0x10100] =	vst v63  }
0x27: {  	s7 =	rddreg [dreg:$0x7]  }
0x28: {  	[tilespmem:s7], [sflag:$0x1] =	stream.indirect_vreg.gather [hbm4b:s1+s3], $0x80, v3, vm0, $0xb8;
	[tilespmem:$0x10100] =	vst v63  }
0x29: {  	v3 =	vld [tilespmem:$0x10];
	_ =	sdelay $0x4  }
0x2a: {  	v49 =	vshll.u32 v3, $0x1  }
0x2b: {  	v3 =	vand.u32 $0x7, v3;
	v4 =	vand.u32 $0xFFFFFFF0, v49  }
0x2c: {  	v3 =	vor.u32 v3, v4  }
0x2d: {  	v4 =	vperm.xlane v3, v0;
	_ =	sdelay $0x1  }
0x2e: {  	v3 =	vperm.xlane v3, v2;
	v4 =	vadd.s32 v1, v4;
	_ =	sdelay $0x1  }
0x2f: {  	v3 =	vadd.s32 v1, v3;
	_ =	sdelay $0x1  }
0x30: {  	s0 =	rddreg [dreg:$0x8]  }
0x31: {  	[tilespmem:s0], [sflag:$0x1] =	stream.indirect_vreg.gather [hbm4b:s1+s3], $0x80, v4, vm0, $0xb8;
	[tilespmem:$0x10100] =	vst v63  }
0x32: {  	s7 =	rddreg [dreg:$0x9]  }
0x33: {  	[tilespmem:s7], [sflag:$0x1] =	stream.indirect_vreg.gather [hbm4b:s1+s3], $0x80, v3, vm0, $0xb8;
	[tilespmem:$0x10100] =	vst v63  }
0x34: {  	v3 =	vld [tilespmem:$0x20];
	_ =	sdelay $0x4  }
0x35: {  	v50 =	vshll.u32 v3, $0x1  }
0x36: {  	v3 =	vand.u32 $0x7, v3;
	v4 =	vand.u32 $0xFFFFFFF0, v50  }
0x37: {  	v3 =	vor.u32 v3, v4  }
0x38: {  	v4 =	vperm.xlane v3, v0;
	_ =	sdelay $0x1  }
0x39: {  	v3 =	vperm.xlane v3, v2;
	v4 =	vadd.s32 v1, v4;
	_ =	sdelay $0x1  }
0x3a: {  	v3 =	vadd.s32 v1, v3;
	_ =	sdelay $0x1  }
0x3b: {  	s0 =	rddreg [dreg:$0xa]  }
0x3c: {  	[tilespmem:s0], [sflag:$0x1] =	stream.indirect_vreg.gather [hbm4b:s1+s3], $0x80, v4, vm0, $0xb8;
	[tilespmem:$0x10100] =	vst v63  }
0x3d: {  	s7 =	rddreg [dreg:$0xb]  }
0x3e: {  	[tilespmem:s7], [sflag:$0x1] =	stream.indirect_vreg.gather [hbm4b:s1+s3], $0x80, v3, vm0, $0xb8;
	[tilespmem:$0x10100] =	vst v63  }
0x3f: {  	v3 =	vld [tilespmem:$0x30];
	_ =	sdelay $0x4  }
0x40: {  	v51 =	vshll.u32 v3, $0x1  }
0x41: {  	v3 =	vand.u32 $0x7, v3;
	v4 =	vand.u32 $0xFFFFFFF0, v51  }
0x42: {  	v3 =	vor.u32 v3, v4  }
0x43: {  	v4 =	vperm.xlane v3, v0;
	_ =	sdelay $0x1  }
0x44: {  	v3 =	vperm.xlane v3, v2;
	v4 =	vadd.s32 v1, v4;
	_ =	sdelay $0x1  }
0x45: {  	v3 =	vadd.s32 v1, v3;
	_ =	sdelay $0x1  }
0x46: {  	s0 =	rddreg [dreg:$0xc]  }
0x47: {  	[tilespmem:s0], [sflag:$0x1] =	stream.indirect_vreg.gather [hbm4b:s1+s3], $0x80, v4, vm0, $0xb8;
	[tilespmem:$0x10100] =	vst v63  }
0x48: {  	s7 =	rddreg [dreg:$0xd]  }
0x49: {  	[tilespmem:s7], [sflag:$0x1] =	stream.indirect_vreg.gather [hbm4b:s1+s3], $0x80, v3, vm0, $0xb8;
	[tilespmem:$0x10100] =	vst v63  }
0x4a: {  	v3 =	vld [tilespmem:$0x40];
	_ =	sdelay $0x4  }
0x4b: {  	v52 =	vshll.u32 v3, $0x1  }
0x4c: {  	v3 =	vand.u32 $0x7, v3;
	v4 =	vand.u32 $0xFFFFFFF0, v52  }
0x4d: {  	v3 =	vor.u32 v3, v4  }
0x4e: {  	v4 =	vperm.xlane v3, v0;
	_ =	sdelay $0x1  }
0x4f: {  	v3 =	vperm.xlane v3, v2;
	v4 =	vadd.s32 v1, v4;
	_ =	sdelay $0x1  }
0x50: {  	v3 =	vadd.s32 v1, v3;
	_ =	sdelay $0x1  }
0x51: {  	s0 =	rddreg [dreg:$0xe]  }
0x52: {  	[tilespmem:s0], [sflag:$0x1] =	stream.indirect_vreg.gather [hbm4b:s1+s3], $0x80, v4, vm0, $0xb8;
	[tilespmem:$0x10100] =	vst v63  }
0x53: {  	s7 =	rddreg [dreg:$0xf]  }
0x54: {  	[tilespmem:s7], [sflag:$0x1] =	stream.indirect_vreg.gather [hbm4b:s1+s3], $0x80, v3, vm0, $0xb8;
	[tilespmem:$0x10100] =	vst v63  }
0x55: {  	v3 =	vld [tilespmem:$0x50];
	_ =	sdelay $0x4  }
0x56: {  	v53 =	vshll.u32 v3, $0x1  }
0x57: {  	v3 =	vand.u32 $0x7, v3;
	v4 =	vand.u32 $0xFFFFFFF0, v53  }
0x58: {  	v3 =	vor.u32 v3, v4  }
0x59: {  	v4 =	vperm.xlane v3, v0;
	_ =	sdelay $0x1  }
0x5a: {  	v3 =	vperm.xlane v3, v2;
	v4 =	vadd.s32 v1, v4;
	_ =	sdelay $0x1  }
0x5b: {  	v3 =	vadd.s32 v1, v3;
	_ =	sdelay $0x1  }
0x5c: {  	s7 =	rddreg [dreg:$0x10]  }
0x5d: {  	[tilespmem:s7], [sflag:$0x1] =	stream.indirect_vreg.gather [hbm4b:s1+s3], $0x80, v4, vm0, $0xb8;
	[tilespmem:$0x10100] =	vst v63  }
0x5e: {  	s7 =	simm.s32 $0x5900  }
0x5f: {  	[tilespmem:s7], [sflag:$0x1] =	stream.indirect_vreg.gather [hbm4b:s1+s3], $0x80, v3, vm0, $0xb8;
	[tilespmem:$0x10100] =	vst v63  }
0x60: {  	v3 =	vld [tilespmem:$0x60];
	_ =	sdelay $0x4  }
0x61: {  	v54 =	vshll.u32 v3, $0x1  }
0x62: {  	v3 =	vand.u32 $0x7, v3;
	v4 =	vand.u32 $0xFFFFFFF0, v54  }
0x63: {  	v3 =	vor.u32 v3, v4  }
0x64: {  	v4 =	vperm.xlane v3, v0;
	_ =	sdelay $0x1  }
0x65: {  	v3 =	vperm.xlane v3, v2;
	v4 =	vadd.s32 v1, v4;
	_ =	sdelay $0x1  }
0x66: {  	v3 =	vadd.s32 v1, v3;
	_ =	sdelay $0x2  }
0x67: {  	[tilespmem:s8], [sflag:$0x1] =	stream.indirect_vreg.gather [hbm4b:s1+s3], $0x80, v4, vm0, $0xb8;
	[tilespmem:$0x10100] =	vst v63  }
0x68: {  	_ = 	snop  }
0x69: {  	[tilespmem:s9], [sflag:$0x1] =	stream.indirect_vreg.gather [hbm4b:s1+s3], $0x80, v3, vm0, $0xb8;
	[tilespmem:$0x10100] =	vst v63  }
0x6a: {  	v3 =	vld [tilespmem:$0x70];
	_ =	sdelay $0x4  }
0x6b: {  	v55 =	vshll.u32 v3, $0x1  }
0x6c: {  	v3 =	vand.u32 $0x7, v3;
	v4 =	vand.u32 $0xFFFFFFF0, v55  }
0x6d: {  	v3 =	vor.u32 v3, v4  }
0x6e: {  	v4 =	vperm.xlane v3, v0;
	_ =	sdelay $0x1  }
0x6f: {  	v3 =	vperm.xlane v3, v2;
	v4 =	vadd.s32 v1, v4;
	_ =	sdelay $0x1  }
0x70: {  	v3 =	vadd.s32 v1, v3;
	_ =	sdelay $0x2  }
0x71: {  	[tilespmem:s10], [sflag:$0x1] =	stream.indirect_vreg.gather [hbm4b:s1+s3], $0x80, v4, vm0, $0xb8;
	[tilespmem:$0x10100] =	vst v63  }
0x72: {  	_ = 	snop  }
0x73: {  	[tilespmem:s11], [sflag:$0x1] =	stream.indirect_vreg.gather [hbm4b:s1+s3], $0x80, v3, vm0, $0xb8;
	[tilespmem:$0x10100] =	vst v63  }
0x74: {  	v3 =	vld [tilespmem:$0x80];
	_ =	sdelay $0x4  }
0x75: {  	v56 =	vshll.u32 v3, $0x1  }
0x76: {  	v3 =	vand.u32 $0x7, v3;
	v4 =	vand.u32 $0xFFFFFFF0, v56  }
0x77: {  	v3 =	vor.u32 v3, v4  }
0x78: {  	v4 =	vperm.xlane v3, v0;
	_ =	sdelay $0x1  }
0x79: {  	v3 =	vperm.xlane v3, v2;
	v4 =	vadd.s32 v1, v4;
	_ =	sdelay $0x1  }
0x7a: {  	v3 =	vadd.s32 v1, v3;
	_ =	sdelay $0x2  }
0x7b: {  	[tilespmem:s12], [sflag:$0x2] =	stream.indirect_vreg.gather [hbm4b:s1+s3], $0x80, v4, vm0, $0xb8;
	[tilespmem:$0x10100] =	vst v63  }
0x7c: {  	_ = 	snop  }
0x7d: {  	[tilespmem:s13], [sflag:$0x2] =	stream.indirect_vreg.gather [hbm4b:s1+s3], $0x80, v3, vm0, $0xb8;
	[tilespmem:$0x10100] =	vst v63  }
0x7e: {  	v3 =	vld [tilespmem:$0x90];
	_ =	sdelay $0x4  }
0x7f: {  	v57 =	vshll.u32 v3, $0x1  }
0x80: {  	v3 =	vand.u32 $0x7, v3;
	v4 =	vand.u32 $0xFFFFFFF0, v57  }
0x81: {  	v3 =	vor.u32 v3, v4  }
0x82: {  	v4 =	vperm.xlane v3, v0;
	_ =	sdelay $0x1  }
0x83: {  	v3 =	vperm.xlane v3, v2;
	v4 =	vadd.s32 v1, v4;
	_ =	sdelay $0x1  }
0x84: {  	v3 =	vadd.s32 v1, v3;
	_ =	sdelay $0x2  }
0x85: {  	[tilespmem:s14], [sflag:$0x2] =	stream.indirect_vreg.gather [hbm4b:s1+s3], $0x80, v4, vm0, $0xb8;
	[tilespmem:$0x10100] =	vst v63  }
0x86: {  	_ = 	snop  }
0x87: {  	[tilespmem:s15], [sflag:$0x2] =	stream.indirect_vreg.gather [hbm4b:s1+s3], $0x80, v3, vm0, $0xb8;
	[tilespmem:$0x10100] =	vst v63  }
0x88: {  	v3 =	vld [tilespmem:$0xA0];
	_ =	sdelay $0x4  }
0x89: {  	v58 =	vshll.u32 v3, $0x1  }
0x8a: {  	v3 =	vand.u32 $0x7, v3;
	v4 =	vand.u32 $0xFFFFFFF0, v58  }
0x8b: {  	v3 =	vor.u32 v3, v4  }
0x8c: {  	v4 =	vperm.xlane v3, v0;
	_ =	sdelay $0x1  }
0x8d: {  	v3 =	vperm.xlane v3, v2;
	v4 =	vadd.s32 v1, v4;
	_ =	sdelay $0x1  }
0x8e: {  	v3 =	vadd.s32 v1, v3;
	_ =	sdelay $0x2  }
0x8f: {  	[tilespmem:s16], [sflag:$0x2] =	stream.indirect_vreg.gather [hbm4b:s1+s3], $0x80, v4, vm0, $0xb8;
	[tilespmem:$0x10100] =	vst v63  }
0x90: {  	_ = 	snop  }
0x91: {  	[tilespmem:s17], [sflag:$0x2] =	stream.indirect_vreg.gather [hbm4b:s1+s3], $0x80, v3, vm0, $0xb8;
	[tilespmem:$0x10100] =	vst v63  }
0x92: {  	v3 =	vld [tilespmem:$0xB0];
	_ =	sdelay $0x4  }
0x93: {  	v59 =	vshll.u32 v3, $0x1  }
0x94: {  	v3 =	vand.u32 $0x7, v3;
	v4 =	vand.u32 $0xFFFFFFF0, v59  }
0x95: {  	v3 =	vor.u32 v3, v4  }
0x96: {  	v4 =	vperm.xlane v3, v0;
	_ =	sdelay $0x1  }
0x97: {  	v3 =	vperm.xlane v3, v2;
	v4 =	vadd.s32 v1, v4;
	_ =	sdelay $0x1  }
0x98: {  	v3 =	vadd.s32 v1, v3;
	_ =	sdelay $0x2  }
0x99: {  	[tilespmem:s18], [sflag:$0x2] =	stream.indirect_vreg.gather [hbm4b:s1+s3], $0x80, v4, vm0, $0xb8;
	[tilespmem:$0x10100] =	vst v63  }
0x9a: {  	_ = 	snop  }
0x9b: {  	[tilespmem:s19], [sflag:$0x2] =	stream.indirect_vreg.gather [hbm4b:s1+s3], $0x80, v3, vm0, $0xb8;
	[tilespmem:$0x10100] =	vst v63  }
0x9c: {  	v3 =	vld [tilespmem:$0xC0];
	_ =	sdelay $0x4  }
0x9d: {  	v60 =	vshll.u32 v3, $0x1  }
0x9e: {  	v3 =	vand.u32 $0x7, v3;
	v4 =	vand.u32 $0xFFFFFFF0, v60  }
0x9f: {  	v3 =	vor.u32 v3, v4  }
0xa0: {  	v4 =	vperm.xlane v3, v0;
	_ =	sdelay $0x1  }
0xa1: {  	v3 =	vperm.xlane v3, v2;
	v4 =	vadd.s32 v1, v4;
	_ =	sdelay $0x1  }
0xa2: {  	v3 =	vadd.s32 v1, v3;
	_ =	sdelay $0x2  }
0xa3: {  	[tilespmem:s20], [sflag:$0x2] =	stream.indirect_vreg.gather [hbm4b:s1+s3], $0x80, v4, vm0, $0xb8;
	[tilespmem:$0x10100] =	vst v63  }
0xa4: {  	_ = 	snop  }
0xa5: {  	[tilespmem:s21], [sflag:$0x2] =	stream.indirect_vreg.gather [hbm4b:s1+s3], $0x80, v3, vm0, $0xb8;
	[tilespmem:$0x10100] =	vst v63  }
0xa6: {  	v3 =	vld [tilespmem:$0xD0];
	_ =	sdelay $0x4  }
0xa7: {  	v61 =	vshll.u32 v3, $0x1  }
0xa8: {  	v3 =	vand.u32 $0x7, v3;
	v4 =	vand.u32 $0xFFFFFFF0, v61  }
0xa9: {  	v3 =	vor.u32 v3, v4  }
0xaa: {  	v4 =	vperm.xlane v3, v0;
	_ =	sdelay $0x1  }
0xab: {  	v3 =	vperm.xlane v3, v2;
	v4 =	vadd.s32 v1, v4;
	_ =	sdelay $0x1  }
0xac: {  	v3 =	vadd.s32 v1, v3;
	_ =	sdelay $0x2  }
0xad: {  	[tilespmem:s22], [sflag:$0x2] =	stream.indirect_vreg.gather [hbm4b:s1+s3], $0x80, v4, vm0, $0xb8;
	[tilespmem:$0x10100] =	vst v63  }
0xae: {  	_ = 	snop  }
0xaf: {  	[tilespmem:s23], [sflag:$0x2] =	stream.indirect_vreg.gather [hbm4b:s1+s3], $0x80, v3, vm0, $0xb8;
	[tilespmem:$0x10100] =	vst v63  }
0xb0: {  	v3 =	vld [tilespmem:$0xE0];
	_ =	sdelay $0x4  }
0xb1: {  	v62 =	vshll.u32 v3, $0x1  }
0xb2: {  	v3 =	vand.u32 $0x7, v3;
	v4 =	vand.u32 $0xFFFFFFF0, v62  }
0xb3: {  	v3 =	vor.u32 v3, v4  }
0xb4: {  	v4 =	vperm.xlane v3, v0;
	_ =	sdelay $0x1  }
0xb5: {  	v3 =	vperm.xlane v3, v2;
	v4 =	vadd.s32 v1, v4;
	_ =	sdelay $0x1  }
0xb6: {  	v3 =	vadd.s32 v1, v3;
	_ =	sdelay $0x2  }
0xb7: {  	[tilespmem:s24], [sflag:$0x2] =	stream.indirect_vreg.gather [hbm4b:s1+s3], $0x80, v4, vm0, $0xb8;
	[tilespmem:$0x10100] =	vst v63  }
0xb8: {  	_ = 	snop  }
0xb9: {  	[tilespmem:s25], [sflag:$0x2] =	stream.indirect_vreg.gather [hbm4b:s1+s3], $0x80, v3, vm0, $0xb8;
	[tilespmem:$0x10100] =	vst v63  }
0xba: {  	v3 =	vld [tilespmem:$0xF0];
	_ =	sdelay $0x4  }
0xbb: {  	v63 =	vshll.u32 v3, $0x1  }
0xbc: {  	v3 =	vand.u32 $0x7, v3;
	v4 =	vand.u32 $0xFFFFFFF0, v63  }
0xbd: {  	v3 =	vor.u32 v3, v4  }
0xbe: {  	v4 =	vperm.xlane v3, v0;
	_ =	sdelay $0x1  }
0xbf: {  	v3 =	vperm.xlane v3, v2;
	v4 =	vadd.s32 v1, v4;
	_ =	sdelay $0x1  }
0xc0: {  	v3 =	vadd.s32 v1, v3;
	_ =	sdelay $0x2  }
0xc1: {  	[tilespmem:s26], [sflag:$0x2] =	stream.indirect_vreg.gather [hbm4b:s1+s3], $0x80, v4, vm0, $0xb8;
	[tilespmem:$0x10100] =	vst v63  }
0xc2: {  	_ = 	snop  }
0xc3: {  	[tilespmem:s28], [sflag:$0x2] =	stream.indirect_vreg.gather [hbm4b:s1+s3], $0x80, v3, vm0, $0xb8;
	[tilespmem:$0x10100] =	vst v63  }
0xc4: {  	_ =	swait.ge [sflag:s29], $0x8000  }
0xc5: {  	[sflag:s29] =	ssyncset.done $0x0  }
0xc6: {  	s7 =	rddreg [dreg:$0x5];
	[sflag:s29] =	ssyncadd.s32 $0xFFFF8000  }
0xc7: {  	[hbm4b:s7+s3] =	stream.linear.scatter [tilespmem:s6], [sflag:$0x3], $0x8000, $0x38;
	[tilespmem:$0x10100] =	vst v63  }
0xc8: {  	_ =	swait.ge [sflag:s30], $0x8000  }
0xc9: {  	[sflag:s30] =	ssyncset.done $0x0  }
0xca: {  	s7 =	rddreg [dreg:$0x6];
	[sflag:s30] =	ssyncadd.s32 $0xFFFF8000  }
0xcb: {  	[hbm4b:s7+s3] =	stream.linear.scatter [tilespmem:s12], [sflag:$0x4], $0x8000, $0x38;
	[tilespmem:$0x10100] =	vst v63  }
0xcc: {  	p0 =	sne.s32 s4, $0x1;
	_ =	swait.ge [sflag:s31], $0x8000  }
.Ltmp0:
0xcd: {  	[sflag:s31] =	ssyncset.done $0x0;
	(pc) =	sbr.rel @p0 .LBB2_1-.Ltmp0, $4  }
0xce: {  	[sflag:s31] =	ssyncadd.s32 $0xFFFF8000  }
0xcf: {  	_ =	swait.ge [sflag:s2], $0x8000  }
0xd0: {  	[sflag:s2] =	ssyncset.done $0x0  }
0xd1: {  	s4 =	sadd.s32 $0xFFFFFFFF, s4;
	[sflag:s2] =	ssyncadd.s32 $0xFFFF8000  }
0xd2: {  	_ =	sfence.sel $0x180000  }
0xd3: {  	[bflag:$0x0] =	sbarrier.arrive $0xFFFF  }
0xd4: {  	_ =	strace $0x9000004A  }
0xd5: {  	s0 =	stileid.u32;
	[bflag:$0x2] =	sbarrier.arrive $0xFFFF  }
0xd6: {  	p0 =	sne.s32 s0, $0x0;
	s0 =	rddreg [dreg:$0x3]  }
0xd7: {  	s0 =	sadd.s32 @!p0 $0x100000, s0  }
0xd8: {  	[sflag:s0] =	ssyncadd.tile.s32 @!p0 $0x1;
	_ =	shalt  }
.Lfunc_end2:
_tile_overlayer_lowered:
.L_overlay_start_2:
0xd9: {  	(tag) =	ssettag $0x2  }
0xda: {  	s0 =	rddreg [dreg:$0x0];
	s2 =	stileid.u32  }
0xdb: {  	s1 =	rddreg [dreg:$0x1];
	p0 =	sne.s32 s2, $0x0  }
0xdc: {  	s3 =	rddreg [dreg:$0x2];
	[bflag:$0x3] =	sbarrier.arrive $0xFFFF;
	s2 =	simm.s32 @!p0 $0x1C05  }
0xdd: {  	[timem:s3], [sflag:s2] =	dma.local @!p0 [hbm:s0], s1  }
0xde: {  	s0 =	simm.s32 @!p0 $0x5  }
0xdf: {  	_ =	swait.ge @!p0 [sflag:s0], s1  }
0xe0: {  	s1 =	ssub.s32 @!p0 $0x0, s1;
	[sflag:s0] =	ssyncset.done @!p0 $0x0  }
0xe1: {  	[sflag:s0] =	ssyncadd.s32 @!p0 s1  }
0xe2: {  	[bflag:$0x3] =	sbarrier.arrive $0xFFFF  }
0xe3: {  	_ =	shalt  }

// kernel: kernel.7.cloned.1.call-start
scs
__scs_entry_jumppad:
0x0: {  	(pc) =	sbr.rel $0x88, $3  }
0x1: {  	(tag) =	ssettag $0x0;
	lr =	simm.s32 $0x1  }
0x2: {  	[smem:$0x3F9F] =	sst lr;
	_ =	strace $0xD0000000  }
0x3: {  	_ = 	snop  }
0x4: {  	_ = 	snop  }
0x5: {  	_ = 	snop  }
0x6: {  	_ = 	snop  }
0x7: {  	_ = 	snop  }
__scs_overlays_trampoline_lowered:
0x8: {  	[smem:$0x3FAE] =	sst s0  }
0x9: {  	[smem:$0x3FAF] =	sst s1  }
0xa: {  	[smem:$0x3FB0] =	sst s2  }
0xb: {  	[smem:$0x3FB1] =	sst s3  }
0xc: {  	[smem:$0x3FB2] =	sst s4  }
0xd: {  	[smem:$0x3FB3] =	sst s5  }
0xe: {  	[smem:$0x3FB4] =	sst s6  }
0xf: {  	[smem:$0x3FB5] =	sst s7  }
0x10: {  	[smem:$0x3FB6] =	sst s8  }
0x11: {  	[smem:$0x3FB7] =	sst s9;
	s0 =	simm.s32 @!p0 $0x0  }
0x12: {  	s1 =	sld [smem:$0x3F9D];
	s0 =	simm.s32 @p0 $0x1  }
0x13: {  	[smem:$0x3FB8] =	sst s0;
	s0 =	simm.s32 @!p1 $0x0  }
0x14: {  	s2 =	sld [smem:$0x3F9C];
	s0 =	simm.s32 @p1 $0x1  }
0x15: {  	[smem:$0x3FB9] =	sst s0;
	s0 =	simm.s32 @!p2 $0x0  }
0x16: {  	s3 =	sld [smem:$0x3FDB];
	s0 =	simm.s32 @p2 $0x1  }
0x17: {  	s4 =	simm.s32 $0x1BF5;
	[smem:$0x3FBB] =	sst s0  }
0x18: {  	s0 =	sld [smem:$0x3F9E];
	_ =	swait.ge [sflag:s4], $0x0  }
0x19: {  	s7 =	sld [smem:$0x3F9F]  }
0x1a: {  	s8 =	sadd.s32 $0xFFFFE003, lr  }
0x1b: {  	s9 =	sadd.s32 $0xFFFFFEF7, lr;
	s5 =	simm.s32 $0xFFFFFFFF;
	p2 =	slt.u32 s8, $0xFFFFF086  }
0x1c: {  	p1 =	slt.u32 s9, $0xF7A;
	s5 =	simm.s32 @!p2 $0x0  }
0x1d: {  	s5 =	simm.s32 @p1 $0x1;
	p0 =	seq.s32 s7, s2  }
0x1e: {  	s7 =	smul.u32 @!p0 $0xF7A, s2;
	p2 =	seq.s32 @!p0 s5, $0x0  }
0x1f: {  	s9 =	smul.u32 $0xF7A, s1;
	s8 =	simm.s32 @!p0 $0x1BF5;
	p2 =	por !p2, p0  }
0x20: {  	[sflag:s8] =	ssyncset.s32 @!p0 $0xFFFFF086;
	s6 =	sadd.s32 @!p0 s3, s7;
	s7 =	simm.s32 @!p0 $0x108  }
0x21: {  	s3 =	sadd.s32 s3, s9;
	s6 =	sadd.s32 @!p0 $0x88, s6;
	s7 =	simm.s32 @p2 $0x1082  }
0x22: {  	[simem:s7], [sflag:s8] =	dma.local @!p0 [hbm:s6], $0xF7A  }
0x23: {  	s9 =	sor.u32 $0xD0000000, s2;
	s6 =	simm.s32 $0x108;
	_ =	swait.ge @!p0 [sflag:s8], $0x0  }
0x24: {  	s3 =	sadd.s32 $0x88, s3;
	s6 =	simm.s32 @!p1 $0x1082;
	[sflag:s4] =	ssyncset.s32 $0xFFFFF086  }
0x25: {  	[simem:s6], [sflag:s4] =	dma.local [hbm:s3], $0xF7A  }
0x26: {  	[smem:$0x3F9F] =	sst s1;
	(tag) =	ssettag s2;
	_ =	strace s9  }
0x27: {  	s1 =	sld [smem:$0x3FAF]  }
0x28: {  	s2 =	sld [smem:$0x3FB0]  }
0x29: {  	s4 =	sld [smem:$0x3FB2]  }
0x2a: {  	p0 =	seq.s32 s5, $0x0;
	s5 =	sld [smem:$0x3FB3]  }
0x2b: {  	s6 =	sld [smem:$0x3FB4]  }
0x2c: {  	s7 =	sld [smem:$0x3FB5]  }
0x2d: {  	s3 =	simm.s32 $0x108;
	s8 =	sld [smem:$0x3FB6]  }
0x2e: {  	s3 =	simm.s32 @!p0 $0x1082;
	s9 =	sld [smem:$0x3FB7]  }
0x2f: {  	lr =	sadd.s32 s0, s3;
	s0 =	sld [smem:$0x3FAE]  }
0x30: {  	s3 =	sld [smem:$0x3FB1]  }
0x31: {  	[smem:$0x3FBA] =	sst s10  }
0x32: {  	s10 =	sld [smem:$0x3FB8];
	_ =	sdelay $0x3  }
0x33: {  	p0 =	seq.s32 s10, $0x1;
	s10 =	sld [smem:$0x3FBA];
	_ =	sdelay $0x3  }
0x34: {  	[smem:$0x3FBA] =	sst s10  }
0x35: {  	s10 =	sld [smem:$0x3FB9];
	_ =	sdelay $0x3  }
0x36: {  	p1 =	seq.s32 s10, $0x1;
	s10 =	sld [smem:$0x3FBA];
	_ =	sdelay $0x3  }
0x37: {  	[smem:$0x3FBA] =	sst s10  }
0x38: {  	s10 =	sld [smem:$0x3FBB]  }
0x39: {  	_ = 	snop;
	(pc) =	sbr.ind lr, $3  }
0x3a: {  	_ = 	snop  }
0x3b: {  	_ = 	snop  }
0x3c: {  	p2 =	seq.s32 s10, $0x1;
	s10 =	sld [smem:$0x3FBA]  }
0x3d: {  	_ =	shalt  }
0x3e: {  	_ =	shalt  }
0x3f: {  	_ =	shalt  }
0x40: {  	_ =	shalt  }
0x41: {  	_ =	shalt  }
0x42: {  	_ =	shalt  }
0x43: {  	_ =	shalt  }
0x44: {  	_ =	shalt  }
0x45: {  	_ =	shalt  }
0x46: {  	_ =	shalt  }
0x47: {  	_ =	shalt  }
0x48: {  	_ =	shalt  }
0x49: {  	_ =	shalt  }
0x4a: {  	_ =	shalt  }
0x4b: {  	_ =	shalt  }
0x4c: {  	_ =	shalt  }
0x4d: {  	_ =	shalt  }
0x4e: {  	_ =	shalt  }
0x4f: {  	_ =	shalt  }
0x50: {  	_ =	shalt  }
0x51: {  	_ =	shalt  }
0x52: {  	_ =	shalt  }
0x53: {  	_ =	shalt  }
0x54: {  	_ =	shalt  }
0x55: {  	_ =	shalt  }
0x56: {  	_ =	shalt  }
0x57: {  	_ =	shalt  }
0x58: {  	_ =	shalt  }
0x59: {  	_ =	shalt  }
0x5a: {  	_ =	shalt  }
0x5b: {  	_ =	shalt  }
0x5c: {  	_ =	shalt  }
0x5d: {  	_ =	shalt  }
0x5e: {  	_ =	shalt  }
0x5f: {  	_ =	shalt  }
0x60: {  	_ =	shalt  }
0x61: {  	_ =	shalt  }
0x62: {  	_ =	shalt  }
0x63: {  	_ =	shalt  }
0x64: {  	_ =	shalt  }
0x65: {  	_ =	shalt  }
0x66: {  	_ =	shalt  }
0x67: {  	_ =	shalt  }
0x68: {  	_ =	shalt  }
0x69: {  	_ =	shalt  }
0x6a: {  	_ =	shalt  }
0x6b: {  	_ =	shalt  }
0x6c: {  	_ =	shalt  }
0x6d: {  	_ =	shalt  }
0x6e: {  	_ =	shalt  }
0x6f: {  	_ =	shalt  }
0x70: {  	_ =	shalt  }
0x71: {  	_ =	shalt  }
0x72: {  	_ =	shalt  }
0x73: {  	_ =	shalt  }
0x74: {  	_ =	shalt  }
0x75: {  	_ =	shalt  }
0x76: {  	_ =	shalt  }
0x77: {  	_ =	shalt  }
0x78: {  	_ =	shalt  }
0x79: {  	_ =	shalt  }
0x7a: {  	_ =	shalt  }
0x7b: {  	_ =	shalt  }
0x7c: {  	_ =	shalt  }
0x7d: {  	_ =	shalt  }
0x7e: {  	_ =	shalt  }
0x7f: {  	_ =	shalt  }
0x80: {  	_ =	shalt  }
0x81: {  	_ =	shalt  }
0x82: {  	_ =	shalt  }
0x83: {  	_ =	shalt  }
0x84: {  	_ =	shalt  }
0x85: {  	_ =	shalt  }
0x86: {  	_ =	shalt  }
0x87: {  	_ =	shalt  }
.Lfunc_end0:
.L_simem_size_0:
called_computation_lowered:
.L_overlay_start_0:
0x88: {  	s2 =	sld [smem:$0x3FD9]  }
0x89: {  	s3 =	sld [smem:$0x3FFE];
	_ =	sdelay $0x1  }
0x8a: {  	s1 =	srdreg.scid  }
0x8b: {  	s0 =	sand.u32 $0x1, s1  }
0x8c: {  	s17 =	sshll.u32 s0, $0xA;
	s2 =	sadd.s32 s3, s2  }
0x8d: {  	s2 =	sadd.s32 s2, s17  }
0x8e: {  	[smem:$0x3FC6] =	sst s2  }
0x8f: {  	_ = 	snop  }
0x90: {  	s2 =	sld [smem:$0x3FC8]  }
0x91: {  	s18 =	sld [smem:$0x3FD0];
	(tm) =	ssettm $0x1  }
0x92: {  	s4 =	sld [smem:$0x3FFB];
	_ =	sdelay $0x3  }
0x93: {  	_ =	strace s4  }
0x94: {  	s4 =	sld [smem:$0x3FFC];
	_ =	sdelay $0x3  }
0x95: {  	_ =	strace s4  }
0x96: {  	s4 =	sld [smem:$0x3FFD];
	_ =	sdelay $0x3  }
0x97: {  	_ =	strace s4  }
0x98: {  	_ =	strace $0x8FFFFFFF  }
0x99: {  	s19 =	sld [smem:$0x3FDB];
	_ =	sdelay $0x1  }
0x9a: {  	s5 =	simm.s32 $_scs_section_size  }
0x9b: {  	s6 =	simm.s32 $_size__tile_overlayer_lowered;
	s7 =	simm.s32 $_tile_overlayer_lowered  }
0x9c: {  	s22 =	simm.s32 $0x1BFF;
	s21 =	sshll.u32 s7, $0x1;
	s4 =	sadd.s32 s5, s19  }
0x9d: {  	s8 =	simm.s32 $0x0;
	s20 =	sshll.u32 s6, $0x1;
	s6 =	sadd.s32 s21, s4  }
0x9e: {  	[timem:s8], [sflag:s22] =	dma.local [hbm:s6], s20  }
0x9f: {  	_ =	swait.ge [sflag:s22], s20  }
0xa0: {  	s5 =	ssub.s32 $0x0, s20;
	[sflag:s22] =	ssyncset.done $0x0  }
0xa1: {  	[sflag:s22] =	ssyncadd.s32 s5;
	_ =	sdelay $0x1  }
0xa2: {  	s23 =	simm.s32 $0x1B8B  }
0xa3: {  	_ =	swait.ge [sflag:s23], $0x1  }
0xa4: {  	[sflag:s23] =	ssyncset.done $0x0  }
0xa5: {  	s25 =	simm.s32 $0x1B8E;
	s24 =	sld [smem:$0x3FFE];
	[sflag:s23] =	ssyncadd.s32 $0xFFFFFFFF  }
0xa6: {  	s26 =	simm.s32 $execute0_lowered;
	[smem:$0x3FD2] =	sst s25  }
0xa7: {  	s6 =	sshll.u32 s26, $0x1;
	_ =	strace $0x80000046;
	[dreg:$0x1] =	wrdreg $0xFFFFFFFF  }
0xa8: {  	s28 =	simm.s32 $_size_execute0_lowered;
	s4 =	sadd.s32 s4, s6;
	[dreg:$0x0] =	wrdreg $0x0  }
0xa9: {  	s6 =	sshll.u32 s28, $0x1;
	[dreg:$0x2] =	wrdreg s4  }
0xaa: {  	[dreg:$0x3] =	wrdreg s6  }
0xab: {  	[dreg:$0x4] =	wrdreg $0xC0  }
0xac: {  	_ =	task [dreg:s8], $0x5FFFF  }
0xad: {  	[dreg:$0x1] =	wrdreg $0xFFFFFFFF  }
0xae: {  	[dreg:$0x0] =	wrdreg $0x60  }
0xaf: {  	[dreg:$0x2] =	wrdreg s2  }
0xb0: {  	[dreg:$0x3] =	wrdreg s24  }
0xb1: {  	[dreg:$0x4] =	wrdreg s18  }
0xb2: {  	[dreg:$0x5] =	wrdreg $0x9  }
0xb3: {  	_ =	task.clear_ibuf [dreg:s8], $0x6FFFF;
	_ =	strace $0x90000046  }
0xb4: {  	s29 =	simm.s32 $0x9;
	_ =	strace $0x80000048  }
0xb5: {  	_ =	swait.ge [sflag:s29], $0x1  }
0xb6: {  	[sflag:s29] =	ssyncadd.s32 $0xFFFFFFFF  }
0xb7: {  	_ =	strace $0x90000048  }
0xb8: {  	_ =	sfence  }
0xb9: {  	s30 =	sld [smem:$0x0];
	_ =	sdelay $0x2  }
0xba: {  	s31 =	sshll.u32 s1, $0xD;
	s1 =	sshrl.u32 s1, $0x2  }
0xbb: {  	s3 =	sand.u32 $0x4000, s31;
	s1 =	sadd.s32 s1, s30  }
0xbc: {  	s0 =	sor.u32 s3, s0;
	s1 =	sshll.u32 s1, $0x11  }
0xbd: {  	s0 =	sor.u32 s1, s0  }
0xbe: {  	s0 =	sadd.s32 $0x8F2B, s0  }
0xbf: {  	[sflag:s0] =	ssyncadd.remote.s32 $0x1  }
0xc0: {  	_ =	sfence.sel $0xFFFF  }
0xc1: {  	[dreg:$0x0] =	wrdreg $0xFFFFFFFF;
	(pc) =	sbr.abs _section_cstart, $3  }
0xc2: {  	[dreg:$0x1] =	wrdreg $0xFFFFFFFF  }
0xc3: {  	_ =	task.clear_ibuf [dreg:s8], $0x2FFFF;
	_ =	strace $0x9FFFFFFF  }
0xc4: {  	(tm) =	ssettm $0x7FFFFFFF  }
0xc5: {  	_ =	shalt  }
tec
execute0_lowered:
.L_overlay_start_1:
0x0: {  	(tag) =	ssettag $0x1  }
0x1: {  	s1 =	rddreg [dreg:$0x0]  }
0x2: {  	s2 =	srdreg.scid;
	s4 =	rddreg [dreg:$0x1]  }
0x3: {  	s0 =	stileid.u32;
	s6 =	rddreg [dreg:$0x2]  }
0x4: {  	s15 =	simm.s32 $0x900;
	s16 =	simm.s32 $0x1100;
	s17 =	simm.s32 $0x1900  }
0x5: {  	s18 =	simm.s32 $0x2100;
	s19 =	simm.s32 $0x2900;
	s2 =	sand.u32 $0x1, s2  }
0x6: {  	s20 =	simm.s32 $0x3100;
	s3 =	sshll.u32 s0, $0x9;
	s5 =	sshll.u32 s2, $0x8  }
0x7: {  	s21 =	simm.s32 $0x3900;
	s5 =	sor.u32 s5, s3;
	s3 =	simm.s32 $0x0  }
0x8: {  	s22 =	simm.s32 $0x4100;
	s24 =	simm.s32 $0x4900;
	[smem:$0x7FF] =	sst s3  }
0x9: {  	s25 =	simm.s32 $0x5100;
	_ =	strace $0x80000047;
	[dreg:$0x6] =	wrdreg s15  }
0xa: {  	s26 =	simm.s32 $0x5900;
	s9 =	simm.s32 $0x6900;
	[dreg:$0x7] =	wrdreg s16  }
0xb: {  	s10 =	simm.s32 $0x7100;
	s11 =	simm.s32 $0x7900;
	[dreg:$0x8] =	wrdreg s17  }
0xc: {  	s12 =	simm.s32 $0x8100;
	s13 =	simm.s32 $0x8900;
	[dreg:$0x9] =	wrdreg s18  }
0xd: {  	s14 =	simm.s32 $0x9100;
	s28 =	simm.s32 $0xF900;
	[dreg:$0xa] =	wrdreg s19  }
0xe: {  	s29 =	simm.s32 $0x1;
	s30 =	simm.s32 $0x2;
	[dreg:$0xb] =	wrdreg s20  }
0xf: {  	s31 =	simm.s32 $0x3;
	s2 =	ssub.s32 $0x2, s2;
	[dreg:$0xc] =	wrdreg s21  }
0x10: {  	s23 =	sshrl.u32 s2, $0x1;
	s7 =	sshrl.u32 s5, $0x3;
	[dreg:$0xd] =	wrdreg s22  }
0x11: {  	s5 =	sshll.u32 s5, $0x5;
	s2 =	ssub.s32 s2, s23;
	[dreg:$0xe] =	wrdreg s24  }
0x12: {  	s23 =	simm.s32 $0xD900;
	s4 =	sadd.s32 s7, s4;
	[dreg:$0xf] =	wrdreg s25  }
0x13: {  	[dreg:$0x10] =	wrdreg s26;
	s15 =	simm.s32 $0x9900;
	s16 =	simm.s32 $0xA100  }
0x14: {  	s17 =	simm.s32 $0xA900;
	s18 =	simm.s32 $0xB100;
	s19 =	simm.s32 $0xB900  }
0x15: {  	s20 =	simm.s32 $0xC100;
	s21 =	simm.s32 $0xC900;
	s22 =	simm.s32 $0xD100  }
0x16: {  	s24 =	simm.s32 $0xE100;
	s25 =	simm.s32 $0xE900;
	s26 =	simm.s32 $0xF100  }
0x17: {  	v2 =	vlaneseq.u32;
	s7 =	sadd.s32 $0x1200, s4;
	s4 =	sadd.s32 s6, s5;
	s6 =	simm.s32 $0x5  }
0x18: {  	vm0 =	vmmov $0xffff;
	v1 =	vshrl.u32 v2, $0x3;
	[dreg:$0x4] =	wrdreg s7;
	s5 =	sadd.s32 $0x1000, s4;
	s7 =	simm.s32 $0x100  }
0x19: {  	v0 =	vand.u32 $0x7, v2;
	v2 =	vor.u32 $0x8, v2;
	v1 =	vmul.u32 $0x8, v1;
	[dreg:$0x5] =	wrdreg s5;
	s5 =	smax.u32 s2, $0x1;
	s2 =	simm.s32 $0x4  }
.LBB2_1:
0x1a: {  	s0 =	rddreg [dreg:$0x4]  }
0x1b: {  	[tilespmem:s3], [sflag:$0x5] =	stream.linear.gather [hbm4b:s0+s3], $0x100, $0x38;
	[tilespmem:$0x10100] =	vst v63  }
0x1c: {  	_ =	swait.ge [sflag:s6], $0x100  }
0x1d: {  	[sflag:s6] =	ssyncset.done $0x0  }
0x1e: {  	[sflag:s6] =	ssyncadd.s32 $0xFFFFFF00  }
0x1f: {  	v3 =	vld [tilespmem:$0x0];
	_ =	sdelay $0x4  }
0x20: {  	v4 =	vshll.u32 v3, $0x1  }
0x21: {  	v3 =	vand.u32 $0x7, v3;
	v4 =	vand.u32 $0xFFFFFFF0, v4  }
0x22: {  	v3 =	vor.u32 v3, v4  }
0x23: {  	v4 =	vperm.xlane v3, v0;
	_ =	sdelay $0x1  }
0x24: {  	v3 =	vperm.xlane v3, v2;
	v4 =	vadd.s32 v1, v4;
	_ =	sdelay $0x1  }
0x25: {  	v3 =	vadd.s32 v1, v3;
	_ =	sdelay $0x2  }
0x26: {  	[tilespmem:s7], [sflag:$0x1] =	stream.indirect_vreg.gather [hbm4b:s1+s3], $0x80, v4, vm0, $0xb8;
	[tilespmem:$0x10100] =	vst v63  }
0x27: {  	s8 =	rddreg [dreg:$0x6]  }
0x28: {  	[tilespmem:s8], [sflag:$0x1] =	stream.indirect_vreg.gather [hbm4b:s1+s3], $0x80, v3, vm0, $0xb8;
	[tilespmem:$0x10100] =	vst v63  }
0x29: {  	v3 =	vld [tilespmem:$0x10];
	_ =	sdelay $0x4  }
0x2a: {  	v49 =	vshll.u32 v3, $0x1  }
0x2b: {  	v3 =	vand.u32 $0x7, v3;
	v4 =	vand.u32 $0xFFFFFFF0, v49  }
0x2c: {  	v3 =	vor.u32 v3, v4  }
0x2d: {  	v4 =	vperm.xlane v3, v0;
	_ =	sdelay $0x1  }
0x2e: {  	v3 =	vperm.xlane v3, v2;
	v4 =	vadd.s32 v1, v4;
	_ =	sdelay $0x1  }
0x2f: {  	v3 =	vadd.s32 v1, v3;
	_ =	sdelay $0x1  }
0x30: {  	s0 =	rddreg [dreg:$0x7]  }
0x31: {  	[tilespmem:s0], [sflag:$0x1] =	stream.indirect_vreg.gather [hbm4b:s1+s3], $0x80, v4, vm0, $0xb8;
	[tilespmem:$0x10100] =	vst v63  }
0x32: {  	s8 =	rddreg [dreg:$0x8]  }
0x33: {  	[tilespmem:s8], [sflag:$0x1] =	stream.indirect_vreg.gather [hbm4b:s1+s3], $0x80, v3, vm0, $0xb8;
	[tilespmem:$0x10100] =	vst v63  }
0x34: {  	v3 =	vld [tilespmem:$0x20];
	_ =	sdelay $0x4  }
0x35: {  	v50 =	vshll.u32 v3, $0x1  }
0x36: {  	v3 =	vand.u32 $0x7, v3;
	v4 =	vand.u32 $0xFFFFFFF0, v50  }
0x37: {  	v3 =	vor.u32 v3, v4  }
0x38: {  	v4 =	vperm.xlane v3, v0;
	_ =	sdelay $0x1  }
0x39: {  	v3 =	vperm.xlane v3, v2;
	v4 =	vadd.s32 v1, v4;
	_ =	sdelay $0x1  }
0x3a: {  	v3 =	vadd.s32 v1, v3;
	_ =	sdelay $0x1  }
0x3b: {  	s0 =	rddreg [dreg:$0x9]  }
0x3c: {  	[tilespmem:s0], [sflag:$0x1] =	stream.indirect_vreg.gather [hbm4b:s1+s3], $0x80, v4, vm0, $0xb8;
	[tilespmem:$0x10100] =	vst v63  }
0x3d: {  	s8 =	rddreg [dreg:$0xa]  }
0x3e: {  	[tilespmem:s8], [sflag:$0x1] =	stream.indirect_vreg.gather [hbm4b:s1+s3], $0x80, v3, vm0, $0xb8;
	[tilespmem:$0x10100] =	vst v63  }
0x3f: {  	v3 =	vld [tilespmem:$0x30];
	_ =	sdelay $0x4  }
0x40: {  	v51 =	vshll.u32 v3, $0x1  }
0x41: {  	v3 =	vand.u32 $0x7, v3;
	v4 =	vand.u32 $0xFFFFFFF0, v51  }
0x42: {  	v3 =	vor.u32 v3, v4  }
0x43: {  	v4 =	vperm.xlane v3, v0;
	_ =	sdelay $0x1  }
0x44: {  	v3 =	vperm.xlane v3, v2;
	v4 =	vadd.s32 v1, v4;
	_ =	sdelay $0x1  }
0x45: {  	v3 =	vadd.s32 v1, v3;
	_ =	sdelay $0x1  }
0x46: {  	s0 =	rddreg [dreg:$0xb]  }
0x47: {  	[tilespmem:s0], [sflag:$0x1] =	stream.indirect_vreg.gather [hbm4b:s1+s3], $0x80, v4, vm0, $0xb8;
	[tilespmem:$0x10100] =	vst v63  }
0x48: {  	s8 =	rddreg [dreg:$0xc]  }
0x49: {  	[tilespmem:s8], [sflag:$0x1] =	stream.indirect_vreg.gather [hbm4b:s1+s3], $0x80, v3, vm0, $0xb8;
	[tilespmem:$0x10100] =	vst v63  }
0x4a: {  	v3 =	vld [tilespmem:$0x40];
	_ =	sdelay $0x4  }
0x4b: {  	v52 =	vshll.u32 v3, $0x1  }
0x4c: {  	v3 =	vand.u32 $0x7, v3;
	v4 =	vand.u32 $0xFFFFFFF0, v52  }
0x4d: {  	v3 =	vor.u32 v3, v4  }
0x4e: {  	v4 =	vperm.xlane v3, v0;
	_ =	sdelay $0x1  }
0x4f: {  	v3 =	vperm.xlane v3, v2;
	v4 =	vadd.s32 v1, v4;
	_ =	sdelay $0x1  }
0x50: {  	v3 =	vadd.s32 v1, v3;
	_ =	sdelay $0x1  }
0x51: {  	s0 =	rddreg [dreg:$0xd]  }
0x52: {  	[tilespmem:s0], [sflag:$0x1] =	stream.indirect_vreg.gather [hbm4b:s1+s3], $0x80, v4, vm0, $0xb8;
	[tilespmem:$0x10100] =	vst v63  }
0x53: {  	s8 =	rddreg [dreg:$0xe]  }
0x54: {  	[tilespmem:s8], [sflag:$0x1] =	stream.indirect_vreg.gather [hbm4b:s1+s3], $0x80, v3, vm0, $0xb8;
	[tilespmem:$0x10100] =	vst v63  }
0x55: {  	v3 =	vld [tilespmem:$0x50];
	_ =	sdelay $0x4  }
0x56: {  	v53 =	vshll.u32 v3, $0x1  }
0x57: {  	v3 =	vand.u32 $0x7, v3;
	v4 =	vand.u32 $0xFFFFFFF0, v53  }
0x58: {  	v3 =	vor.u32 v3, v4  }
0x59: {  	v4 =	vperm.xlane v3, v0;
	_ =	sdelay $0x1  }
0x5a: {  	v3 =	vperm.xlane v3, v2;
	v4 =	vadd.s32 v1, v4;
	_ =	sdelay $0x1  }
0x5b: {  	v3 =	vadd.s32 v1, v3;
	_ =	sdelay $0x1  }
0x5c: {  	s0 =	rddreg [dreg:$0xf]  }
0x5d: {  	[tilespmem:s0], [sflag:$0x1] =	stream.indirect_vreg.gather [hbm4b:s1+s3], $0x80, v4, vm0, $0xb8;
	[tilespmem:$0x10100] =	vst v63  }
0x5e: {  	s8 =	rddreg [dreg:$0x10]  }
0x5f: {  	[tilespmem:s8], [sflag:$0x1] =	stream.indirect_vreg.gather [hbm4b:s1+s3], $0x80, v3, vm0, $0xb8;
	[tilespmem:$0x10100] =	vst v63  }
0x60: {  	v3 =	vld [tilespmem:$0x60];
	_ =	sdelay $0x4  }
0x61: {  	v54 =	vshll.u32 v3, $0x1  }
0x62: {  	v3 =	vand.u32 $0x7, v3;
	v4 =	vand.u32 $0xFFFFFFF0, v54  }
0x63: {  	v3 =	vor.u32 v3, v4  }
0x64: {  	v4 =	vperm.xlane v3, v0;
	_ =	sdelay $0x1  }
0x65: {  	v3 =	vperm.xlane v3, v2;
	v4 =	vadd.s32 v1, v4;
	_ =	sdelay $0x1  }
0x66: {  	v3 =	vadd.s32 v1, v3;
	_ =	sdelay $0x1  }
0x67: {  	s8 =	simm.s32 $0x6100  }
0x68: {  	[tilespmem:s8], [sflag:$0x1] =	stream.indirect_vreg.gather [hbm4b:s1+s3], $0x80, v4, vm0, $0xb8;
	[tilespmem:$0x10100] =	vst v63  }
0x69: {  	_ = 	snop  }
0x6a: {  	[tilespmem:s9], [sflag:$0x1] =	stream.indirect_vreg.gather [hbm4b:s1+s3], $0x80, v3, vm0, $0xb8;
	[tilespmem:$0x10100] =	vst v63  }
0x6b: {  	v3 =	vld [tilespmem:$0x70];
	_ =	sdelay $0x4  }
0x6c: {  	v55 =	vshll.u32 v3, $0x1  }
0x6d: {  	v3 =	vand.u32 $0x7, v3;
	v4 =	vand.u32 $0xFFFFFFF0, v55  }
0x6e: {  	v3 =	vor.u32 v3, v4  }
0x6f: {  	v4 =	vperm.xlane v3, v0;
	_ =	sdelay $0x1  }
0x70: {  	v3 =	vperm.xlane v3, v2;
	v4 =	vadd.s32 v1, v4;
	_ =	sdelay $0x1  }
0x71: {  	v3 =	vadd.s32 v1, v3;
	_ =	sdelay $0x2  }
0x72: {  	[tilespmem:s10], [sflag:$0x1] =	stream.indirect_vreg.gather [hbm4b:s1+s3], $0x80, v4, vm0, $0xb8;
	[tilespmem:$0x10100] =	vst v63  }
0x73: {  	_ = 	snop  }
0x74: {  	[tilespmem:s11], [sflag:$0x1] =	stream.indirect_vreg.gather [hbm4b:s1+s3], $0x80, v3, vm0, $0xb8;
	[tilespmem:$0x10100] =	vst v63  }
0x75: {  	v3 =	vld [tilespmem:$0x80];
	_ =	sdelay $0x4  }
0x76: {  	v56 =	vshll.u32 v3, $0x1  }
0x77: {  	v3 =	vand.u32 $0x7, v3;
	v4 =	vand.u32 $0xFFFFFFF0, v56  }
0x78: {  	v3 =	vor.u32 v3, v4  }
0x79: {  	v4 =	vperm.xlane v3, v0;
	_ =	sdelay $0x1  }
0x7a: {  	v3 =	vperm.xlane v3, v2;
	v4 =	vadd.s32 v1, v4;
	_ =	sdelay $0x1  }
0x7b: {  	v3 =	vadd.s32 v1, v3;
	_ =	sdelay $0x2  }
0x7c: {  	[tilespmem:s12], [sflag:$0x2] =	stream.indirect_vreg.gather [hbm4b:s1+s3], $0x80, v4, vm0, $0xb8;
	[tilespmem:$0x10100] =	vst v63  }
0x7d: {  	_ = 	snop  }
0x7e: {  	[tilespmem:s13], [sflag:$0x2] =	stream.indirect_vreg.gather [hbm4b:s1+s3], $0x80, v3, vm0, $0xb8;
	[tilespmem:$0x10100] =	vst v63  }
0x7f: {  	v3 =	vld [tilespmem:$0x90];
	_ =	sdelay $0x4  }
0x80: {  	v57 =	vshll.u32 v3, $0x1  }
0x81: {  	v3 =	vand.u32 $0x7, v3;
	v4 =	vand.u32 $0xFFFFFFF0, v57  }
0x82: {  	v3 =	vor.u32 v3, v4  }
0x83: {  	v4 =	vperm.xlane v3, v0;
	_ =	sdelay $0x1  }
0x84: {  	v3 =	vperm.xlane v3, v2;
	v4 =	vadd.s32 v1, v4;
	_ =	sdelay $0x1  }
0x85: {  	v3 =	vadd.s32 v1, v3;
	_ =	sdelay $0x2  }
0x86: {  	[tilespmem:s14], [sflag:$0x2] =	stream.indirect_vreg.gather [hbm4b:s1+s3], $0x80, v4, vm0, $0xb8;
	[tilespmem:$0x10100] =	vst v63  }
0x87: {  	_ = 	snop  }
0x88: {  	[tilespmem:s15], [sflag:$0x2] =	stream.indirect_vreg.gather [hbm4b:s1+s3], $0x80, v3, vm0, $0xb8;
	[tilespmem:$0x10100] =	vst v63  }
0x89: {  	v3 =	vld [tilespmem:$0xA0];
	_ =	sdelay $0x4  }
0x8a: {  	v58 =	vshll.u32 v3, $0x1  }
0x8b: {  	v3 =	vand.u32 $0x7, v3;
	v4 =	vand.u32 $0xFFFFFFF0, v58  }
0x8c: {  	v3 =	vor.u32 v3, v4  }
0x8d: {  	v4 =	vperm.xlane v3, v0;
	_ =	sdelay $0x1  }
0x8e: {  	v3 =	vperm.xlane v3, v2;
	v4 =	vadd.s32 v1, v4;
	_ =	sdelay $0x1  }
0x8f: {  	v3 =	vadd.s32 v1, v3;
	_ =	sdelay $0x2  }
0x90: {  	[tilespmem:s16], [sflag:$0x2] =	stream.indirect_vreg.gather [hbm4b:s1+s3], $0x80, v4, vm0, $0xb8;
	[tilespmem:$0x10100] =	vst v63  }
0x91: {  	_ = 	snop  }
0x92: {  	[tilespmem:s17], [sflag:$0x2] =	stream.indirect_vreg.gather [hbm4b:s1+s3], $0x80, v3, vm0, $0xb8;
	[tilespmem:$0x10100] =	vst v63  }
0x93: {  	v3 =	vld [tilespmem:$0xB0];
	_ =	sdelay $0x4  }
0x94: {  	v59 =	vshll.u32 v3, $0x1  }
0x95: {  	v3 =	vand.u32 $0x7, v3;
	v4 =	vand.u32 $0xFFFFFFF0, v59  }
0x96: {  	v3 =	vor.u32 v3, v4  }
0x97: {  	v4 =	vperm.xlane v3, v0;
	_ =	sdelay $0x1  }
0x98: {  	v3 =	vperm.xlane v3, v2;
	v4 =	vadd.s32 v1, v4;
	_ =	sdelay $0x1  }
0x99: {  	v3 =	vadd.s32 v1, v3;
	_ =	sdelay $0x2  }
0x9a: {  	[tilespmem:s18], [sflag:$0x2] =	stream.indirect_vreg.gather [hbm4b:s1+s3], $0x80, v4, vm0, $0xb8;
	[tilespmem:$0x10100] =	vst v63  }
0x9b: {  	_ = 	snop  }
0x9c: {  	[tilespmem:s19], [sflag:$0x2] =	stream.indirect_vreg.gather [hbm4b:s1+s3], $0x80, v3, vm0, $0xb8;
	[tilespmem:$0x10100] =	vst v63  }
0x9d: {  	v3 =	vld [tilespmem:$0xC0];
	_ =	sdelay $0x4  }
0x9e: {  	v60 =	vshll.u32 v3, $0x1  }
0x9f: {  	v3 =	vand.u32 $0x7, v3;
	v4 =	vand.u32 $0xFFFFFFF0, v60  }
0xa0: {  	v3 =	vor.u32 v3, v4  }
0xa1: {  	v4 =	vperm.xlane v3, v0;
	_ =	sdelay $0x1  }
0xa2: {  	v3 =	vperm.xlane v3, v2;
	v4 =	vadd.s32 v1, v4;
	_ =	sdelay $0x1  }
0xa3: {  	v3 =	vadd.s32 v1, v3;
	_ =	sdelay $0x2  }
0xa4: {  	[tilespmem:s20], [sflag:$0x2] =	stream.indirect_vreg.gather [hbm4b:s1+s3], $0x80, v4, vm0, $0xb8;
	[tilespmem:$0x10100] =	vst v63  }
0xa5: {  	_ = 	snop  }
0xa6: {  	[tilespmem:s21], [sflag:$0x2] =	stream.indirect_vreg.gather [hbm4b:s1+s3], $0x80, v3, vm0, $0xb8;
	[tilespmem:$0x10100] =	vst v63  }
0xa7: {  	v3 =	vld [tilespmem:$0xD0];
	_ =	sdelay $0x4  }
0xa8: {  	v61 =	vshll.u32 v3, $0x1  }
0xa9: {  	v3 =	vand.u32 $0x7, v3;
	v4 =	vand.u32 $0xFFFFFFF0, v61  }
0xaa: {  	v3 =	vor.u32 v3, v4  }
0xab: {  	v4 =	vperm.xlane v3, v0;
	_ =	sdelay $0x1  }
0xac: {  	v3 =	vperm.xlane v3, v2;
	v4 =	vadd.s32 v1, v4;
	_ =	sdelay $0x1  }
0xad: {  	v3 =	vadd.s32 v1, v3;
	_ =	sdelay $0x2  }
0xae: {  	[tilespmem:s22], [sflag:$0x2] =	stream.indirect_vreg.gather [hbm4b:s1+s3], $0x80, v4, vm0, $0xb8;
	[tilespmem:$0x10100] =	vst v63  }
0xaf: {  	_ = 	snop  }
0xb0: {  	[tilespmem:s23], [sflag:$0x2] =	stream.indirect_vreg.gather [hbm4b:s1+s3], $0x80, v3, vm0, $0xb8;
	[tilespmem:$0x10100] =	vst v63  }
0xb1: {  	v3 =	vld [tilespmem:$0xE0];
	_ =	sdelay $0x4  }
0xb2: {  	v62 =	vshll.u32 v3, $0x1  }
0xb3: {  	v3 =	vand.u32 $0x7, v3;
	v4 =	vand.u32 $0xFFFFFFF0, v62  }
0xb4: {  	v3 =	vor.u32 v3, v4  }
0xb5: {  	v4 =	vperm.xlane v3, v0;
	_ =	sdelay $0x1  }
0xb6: {  	v3 =	vperm.xlane v3, v2;
	v4 =	vadd.s32 v1, v4;
	_ =	sdelay $0x1  }
0xb7: {  	v3 =	vadd.s32 v1, v3;
	_ =	sdelay $0x2  }
0xb8: {  	[tilespmem:s24], [sflag:$0x2] =	stream.indirect_vreg.gather [hbm4b:s1+s3], $0x80, v4, vm0, $0xb8;
	[tilespmem:$0x10100] =	vst v63  }
0xb9: {  	_ = 	snop  }
0xba: {  	[tilespmem:s25], [sflag:$0x2] =	stream.indirect_vreg.gather [hbm4b:s1+s3], $0x80, v3, vm0, $0xb8;
	[tilespmem:$0x10100] =	vst v63  }
0xbb: {  	v3 =	vld [tilespmem:$0xF0];
	_ =	sdelay $0x4  }
0xbc: {  	v63 =	vshll.u32 v3, $0x1  }
0xbd: {  	v3 =	vand.u32 $0x7, v3;
	v4 =	vand.u32 $0xFFFFFFF0, v63  }
0xbe: {  	v3 =	vor.u32 v3, v4  }
0xbf: {  	v4 =	vperm.xlane v3, v0;
	_ =	sdelay $0x1  }
0xc0: {  	v3 =	vperm.xlane v3, v2;
	v4 =	vadd.s32 v1, v4;
	_ =	sdelay $0x1  }
0xc1: {  	v3 =	vadd.s32 v1, v3;
	_ =	sdelay $0x2  }
0xc2: {  	[tilespmem:s26], [sflag:$0x2] =	stream.indirect_vreg.gather [hbm4b:s1+s3], $0x80, v4, vm0, $0xb8;
	[tilespmem:$0x10100] =	vst v63  }
0xc3: {  	_ = 	snop  }
0xc4: {  	[tilespmem:s28], [sflag:$0x2] =	stream.indirect_vreg.gather [hbm4b:s1+s3], $0x80, v3, vm0, $0xb8;
	[tilespmem:$0x10100] =	vst v63  }
0xc5: {  	_ =	swait.ge [sflag:s29], $0x8000  }
0xc6: {  	[sflag:s29] =	ssyncset.done $0x0  }
0xc7: {  	[sflag:s29] =	ssyncadd.s32 $0xFFFF8000  }
0xc8: {  	[hbm4b:s4+s3] =	stream.linear.scatter [tilespmem:s7], [sflag:$0x3], $0x8000, $0x38;
	[tilespmem:$0x10100] =	vst v63  }
0xc9: {  	_ =	swait.ge [sflag:s30], $0x8000  }
0xca: {  	[sflag:s30] =	ssyncset.done $0x0  }
0xcb: {  	s8 =	rddreg [dreg:$0x5];
	[sflag:s30] =	ssyncadd.s32 $0xFFFF8000  }
0xcc: {  	[hbm4b:s8+s3] =	stream.linear.scatter [tilespmem:s12], [sflag:$0x4], $0x8000, $0x38;
	[tilespmem:$0x10100] =	vst v63  }
0xcd: {  	p0 =	sne.s32 s5, $0x1;
	_ =	swait.ge [sflag:s31], $0x8000  }
.Ltmp0:
0xce: {  	[sflag:s31] =	ssyncset.done $0x0;
	(pc) =	sbr.rel @p0 .LBB2_1-.Ltmp0, $4  }
0xcf: {  	[sflag:s31] =	ssyncadd.s32 $0xFFFF8000  }
0xd0: {  	_ =	swait.ge [sflag:s2], $0x8000  }
0xd1: {  	[sflag:s2] =	ssyncset.done $0x0  }
0xd2: {  	s5 =	sadd.s32 $0xFFFFFFFF, s5;
	[sflag:s2] =	ssyncadd.s32 $0xFFFF8000  }
0xd3: {  	_ =	sfence.sel $0x180000  }
0xd4: {  	[bflag:$0x0] =	sbarrier.arrive $0xFFFF  }
0xd5: {  	_ =	strace $0x90000047  }
0xd6: {  	s0 =	stileid.u32;
	[bflag:$0x2] =	sbarrier.arrive $0xFFFF  }
0xd7: {  	p0 =	sne.s32 s0, $0x0;
	s0 =	rddreg [dreg:$0x3]  }
0xd8: {  	s0 =	sadd.s32 @!p0 $0x100000, s0  }
0xd9: {  	[sflag:s0] =	ssyncadd.tile.s32 @!p0 $0x1;
	_ =	shalt  }
.Lfunc_end2:
_tile_overlayer_lowered:
.L_overlay_start_2:
0xda: {  	(tag) =	ssettag $0x2  }
0xdb: {  	s0 =	rddreg [dreg:$0x0];
	s2 =	stileid.u32  }
0xdc: {  	s1 =	rddreg [dreg:$0x1];
	p0 =	sne.s32 s2, $0x0  }
0xdd: {  	s3 =	rddreg [dreg:$0x2];
	[bflag:$0x3] =	sbarrier.arrive $0xFFFF;
	s2 =	simm.s32 @!p0 $0x1C05  }
0xde: {  	[timem:s3], [sflag:s2] =	dma.local @!p0 [hbm:s0], s1  }
0xdf: {  	s0 =	simm.s32 @!p0 $0x5  }
0xe0: {  	_ =	swait.ge @!p0 [sflag:s0], s1  }
0xe1: {  	s1 =	ssub.s32 @!p0 $0x0, s1;
	[sflag:s0] =	ssyncset.done @!p0 $0x0  }
0xe2: {  	[sflag:s0] =	ssyncadd.s32 @!p0 s1  }
0xe3: {  	[bflag:$0x3] =	sbarrier.arrive $0xFFFF  }
0xe4: {  	_ =	shalt  }

</sc_bundles>
